<compile_context>
chip_gen: v7x
topology: tpu7x:2x2x1
jax: 0.10.2.dev20260603
libtpu: 0.0.44.dev20260713+nightly
codegen_flags: <defaults>
</compile_context>

<pallas_src>
import functools

import numpy as np
import jax
import jax.numpy as jnp
from jax import lax
from jax.experimental import pallas as pl
from jax.experimental.pallas import tpu as pltpu
from jax.experimental.pallas import tpu_sc as plsc

_ELEC_ROWS = np.array(
    [
        [0, 0, 0, 0, 0, 0, 0, 0, 0, 0, 0, 0, 0, 0, 0, 0],
        [0, 1, 0, 0, 0, 0, 0, 0, 0, 0, 0, 0, 0, 0, 0, 0],
        [2, 0, 0, 0, 0, 0, 0, 0, 0, 0, 0, 0, 0, 0, 0, 0],
        [2, 0, 0, 1, 0, 0, 0, 0, 0, 0, 0, 0, 0, 0, 0, 0],
        [2, 0, 2, 0, 0, 0, 0, 0, 0, 0, 0, 0, 0, 0, 0, 0],
        [2, 0, 2, 0, 0, 1, 0, 0, 0, 0, 0, 0, 0, 0, 0, 0],
        [2, 0, 2, 0, 0, 2, 0, 0, 0, 0, 0, 0, 0, 0, 0, 0],
        [2, 0, 2, 0, 0, 3, 0, 0, 0, 0, 0, 0, 0, 0, 0, 0],
        [2, 0, 2, 0, 2, 2, 0, 0, 0, 0, 0, 0, 0, 0, 0, 0],
        [2, 0, 2, 0, 4, 1, 0, 0, 0, 0, 0, 0, 0, 0, 0, 0],
    ],
    dtype=np.float32,
)
_ELEC_NORM = _ELEC_ROWS / _ELEC_ROWS.max()
_VPAD = 16
_ELEC_PAD = np.zeros((_VPAD, 16), dtype=np.float32)
_ELEC_PAD[:10] = _ELEC_NORM


def _fused_table_body(elec_ref, nuc_ref, elec_w_ref, ls_w_ref, ls_b_ref, out_ref):
    elec_emb = jnp.dot(elec_ref[...], elec_w_ref[...],
                       preferred_element_type=jnp.float32)
    vocab = nuc_ref.shape[0]
    nuc_pad = jnp.pad(nuc_ref[...], ((0, _VPAD - vocab), (0, 0)))
    h = nuc_pad + elec_emb
    h = jnp.dot(h, ls_w_ref[...], preferred_element_type=jnp.float32)
    h = h + ls_b_ref[...]
    out_ref[...] = h * jax.nn.sigmoid(h)


def _compute_fused_table(nuclare_table, elec_W, ls_W, ls_b):
    num_features = nuclare_table.shape[1]
    elec_pad = jnp.asarray(_ELEC_PAD)
    return pl.pallas_call(
        _fused_table_body,
        out_shape=jax.ShapeDtypeStruct((_VPAD, num_features), jnp.float32),
    )(elec_pad, nuclare_table, elec_W, ls_W, ls_b.reshape(1, num_features))


_NBUF = 5


def _make_sc_gather(B, D, nc, ns, chunk=128):
    nw = nc * ns
    b_per_w = B // nw
    n_chunks = b_per_w // chunk
    n_groups = n_chunks // _NBUF
    assert n_chunks % _NBUF == 0
    mesh = plsc.VectorSubcoreMesh(core_axis_name="c", subcore_axis_name="s")

    @functools.partial(
        pl.kernel,
        mesh=mesh,
        out_type=jax.ShapeDtypeStruct((B, D), jnp.float32),
        scratch_types=(
            [pltpu.VMEM((n_chunks, chunk), jnp.int32)]
            + [pltpu.VMEM((chunk, D), jnp.float32) for _ in range(_NBUF)]
            + [pltpu.VMEM_SHARED((ns, _VPAD, D), jnp.float32)]
            + [pltpu.SemaphoreType.DMA for _ in range(2 * _NBUF + 1)]
        ),
    )
    def gather_kernel(z_hbm, table_hbm, out_hbm, idx_all, *bufs_and_sems):
        rows = bufs_and_sems[:_NBUF]
        spm = bufs_and_sems[_NBUF]
        gsems = bufs_and_sems[_NBUF + 1:2 * _NBUF + 1]
        wsems = bufs_and_sems[2 * _NBUF + 1:3 * _NBUF + 1]
        isem = bufs_and_sems[3 * _NBUF + 1]
        sid = lax.axis_index("s")
        wid = sid * nc + lax.axis_index("c")
        chunk0 = wid * n_chunks
        idx_cp = pltpu.async_copy(
            z_hbm.at[pl.ds(chunk0, n_chunks)], idx_all, isem)
        pltpu.sync_copy(table_hbm, rows[0].at[pl.ds(0, _VPAD)])
        pltpu.sync_copy(rows[0].at[pl.ds(0, _VPAD)], spm.at[sid])
        tbl = spm.at[sid]
        idx_cp.wait()

        def gather_wait(b):
            pltpu.make_async_copy(
                tbl.at[idx_all.at[0]], rows[b], gsems[b]).wait()

        def write_wait(b):
            pltpu.make_async_copy(
                rows[b], out_hbm.at[pl.ds(0, chunk)], wsems[b]).wait()

        for b in range(_NBUF):
            pltpu.async_copy(tbl.at[idx_all.at[b]], rows[b], gsems[b])

        def group(g, carry):
            j0 = g * _NBUF
            for b in range(_NBUF):
                gather_wait(b)
                pltpu.async_copy(
                    rows[b],
                    out_hbm.at[pl.ds((chunk0 + j0 + b) * chunk, chunk)],
                    wsems[b])
            for b in range(_NBUF):
                jn = j0 + b + _NBUF

                @pl.when(jn < n_chunks)
                def _():
                    write_wait(b)
                    pltpu.async_copy(tbl.at[idx_all.at[jn]], rows[b], gsems[b])

            return carry

        lax.fori_loop(0, n_groups, group, 0)

        for b in range(_NBUF):
            write_wait(b)

    return gather_kernel


def kernel(z, nuclare_table, elec_W, ls_W, ls_b):
    Bz, L = z.shape
    num_features = nuclare_table.shape[1]
    B = Bz * L

    fused = _compute_fused_table(nuclare_table, elec_W, ls_W, ls_b)

    info = plsc.get_sparse_core_info()
    gather_kernel = _make_sc_gather(B, num_features, info.num_cores,
                                    info.num_subcores)
    z2d = z.reshape(B // 128, 128).astype(jnp.int32)
    out = gather_kernel(z2d, fused)
    return out.reshape(Bz, L, num_features)

# --- scband reference (transcript-rebuilt; emitter-appended) ---
"""Pipeline reference for scband-embedding-11690900980359 (READ-ONLY COPY).

The authoritative reference and input builder live on the scoring server;
editing this copy changes nothing except your own understanding.
"""

import jax, jax.numpy as jnp
import numpy as np

# Electronic configuration features for atomic numbers 0..9 (max_atomic_number=9), 16 orbital slots each.
_ELEC_ROWS = [
    [0,0,0,0,0,0,0,0,0,0,0,0,0,0,0,0],
    [0,1,0,0,0,0,0,0,0,0,0,0,0,0,0,0],
    [2,0,0,0,0,0,0,0,0,0,0,0,0,0,0,0],
    [2,0,0,1,0,0,0,0,0,0,0,0,0,0,0,0],
    [2,0,2,0,0,0,0,0,0,0,0,0,0,0,0,0],
    [2,0,2,0,0,1,0,0,0,0,0,0,0,0,0,0],
    [2,0,2,0,0,2,0,0,0,0,0,0,0,0,0,0],
    [2,0,2,0,0,3,0,0,0,0,0,0,0,0,0,0],
    [2,0,2,0,2,2,0,0,0,0,0,0,0,0,0,0],
    [2,0,2,0,4,1,0,0,0,0,0,0,0,0,0,0],
]
_ELEC_NP = np.array(_ELEC_ROWS, dtype=np.float32)
ELEC = jnp.asarray(_ELEC_NP / _ELEC_NP.max())  # [10, 16], normalized like get_elec_feature


def setup_inputs(seed: int = 0) -> dict:
    key = jax.random.key(seed)
    k1, k2, k3, k4 = jax.random.split(key, 4)
    num_features = 128
    vocab = 10  # max_atomic_number + 1
    # forward arg: atomic numbers
    z = jax.random.randint(k1, (4096, 200), 0, 10)
    # learned parameters
    nuclare_table = jax.random.normal(k2, (vocab, num_features), dtype=jnp.float32)  # nn.Embedding weight
    elec_W = jax.random.normal(k3, (16, num_features), dtype=jnp.float32) * (1.0 / np.sqrt(16))  # elec_emb (no bias)
    ls_W = jax.random.normal(k4, (num_features, num_features), dtype=jnp.float32) * (1.0 / np.sqrt(num_features))
    ls_b = jnp.zeros((num_features,), dtype=jnp.float32)
    return {"z": z, "nuclare_table": nuclare_table, "elec_W": elec_W, "ls_W": ls_W, "ls_b": ls_b}


def reference(z, nuclare_table, elec_W, ls_W, ls_b):
    # self.nuclare_emb(z): embedding gather
    nuc = jnp.take(nuclare_table, z, axis=0)            # [B, L, F]
    # self.elec[z, :]: gather rows of normalized electronic-config table, then linear (no bias)
    elec_feat = jnp.take(ELEC, z, axis=0)               # [B, L, 16]
    elec_emb = elec_feat @ elec_W                       # [B, L, F]
    h = nuc + elec_emb
    h = h @ ls_W + ls_b                                 # self.ls
    return jax.nn.silu(h)                               # self.act (assumed SiLU activation)

if __name__ == "__main__":
    import jax
    _d = setup_inputs()
    print(jax.jit(kernel)(*tuple(_d.values())))

</pallas_src>

<mosaic_0001>
#map = affine_map<(d0, d1) -> (0, 0)>
module attributes {stable_mosaic.version = 14 : i64} {
  func.func @gather_kernel(%arg0: i32, %arg1: i32, %arg2: memref<6400x128xi32, #tpu.memory_space<hbm>>, %arg3: memref<16x128xf32, #tpu.memory_space<hbm>>, %arg4: memref<819200x128xf32, #tpu.memory_space<hbm>>, %arg5: memref<200x128xi32, #tpu.memory_space<vmem>>, %arg6: memref<128x128xf32, #tpu.memory_space<vmem>>, %arg7: memref<128x128xf32, #tpu.memory_space<vmem>>, %arg8: memref<128x128xf32, #tpu.memory_space<vmem>>, %arg9: memref<128x128xf32, #tpu.memory_space<vmem>>, %arg10: memref<128x128xf32, #tpu.memory_space<vmem>>, %arg11: memref<16x16x128xf32, #tpu.memory_space<vmem_shared>>, %arg12: memref<!tpu.dma_semaphore, #tpu.memory_space<semaphore_mem>>, %arg13: memref<!tpu.dma_semaphore, #tpu.memory_space<semaphore_mem>>, %arg14: memref<!tpu.dma_semaphore, #tpu.memory_space<semaphore_mem>>, %arg15: memref<!tpu.dma_semaphore, #tpu.memory_space<semaphore_mem>>, %arg16: memref<!tpu.dma_semaphore, #tpu.memory_space<semaphore_mem>>, %arg17: memref<!tpu.dma_semaphore, #tpu.memory_space<semaphore_mem>>, %arg18: memref<!tpu.dma_semaphore, #tpu.memory_space<semaphore_mem>>, %arg19: memref<!tpu.dma_semaphore, #tpu.memory_space<semaphore_mem>>, %arg20: memref<!tpu.dma_semaphore, #tpu.memory_space<semaphore_mem>>, %arg21: memref<!tpu.dma_semaphore, #tpu.memory_space<semaphore_mem>>, %arg22: memref<!tpu.dma_semaphore, #tpu.memory_space<semaphore_mem>>) attributes {dimension_semantics = [#tpu.dimension_semantics<core_parallel>, #tpu.dimension_semantics<subcore_parallel>], iteration_bounds = array<i64: 2, 16>, scalar_prefetch = 0 : i64, scratch_operands = 18 : i64, tpu.core_type = #tpu.core_type<sc_vector_subcore>, window_params = [{transform_indices = #map}, {transform_indices = #map}, {transform_indices = #map}]} {
    %mul3A = arith.constant 2 : i32
    %mul3A_0 = arith.muli %arg1, %mul3A : i32
    %add3A = arith.addi %mul3A_0, %arg0 : i32
    %mul3A_1 = arith.constant 200 : i32
    %mul3A_2 = arith.muli %add3A, %mul3A_1 : i32
    %dma_start3A = arith.constant 0 : i32
    %dma_start3A_3 = tpu.memref_slice %arg2[%mul3A_2, %dma_start3A] : memref<6400x128xi32, #tpu.memory_space<hbm>> -> memref<200x128xi32, #tpu.memory_space<hbm>>
    %dma_start3A_4 = arith.constant 0 : i32
    %dma_start3A_5 = tpu.memref_slice %arg2[%mul3A_2, %dma_start3A_4] : memref<6400x128xi32, #tpu.memory_space<hbm>> -> memref<200x128xi32, #tpu.memory_space<hbm>>
    tpu.enqueue_dma source(%dma_start3A_5 : memref<200x128xi32, #tpu.memory_space<hbm>>) target(%arg5 : memref<200x128xi32, #tpu.memory_space<vmem>>) target_semaphore(%arg22 : memref<!tpu.dma_semaphore, #tpu.memory_space<semaphore_mem>>)
    "tpu.region"() ({
      %run_scoped3A = tpu.sem_alloc : memref<!tpu.dma_semaphore, #tpu.memory_space<semaphore_mem>>
      %dma_start3A_99 = arith.constant 0 : i32
      %dma_start3A_100 = arith.constant 0 : i32
      %dma_start3A_101 = tpu.memref_slice %arg6[%dma_start3A_99, %dma_start3A_100] : memref<128x128xf32, #tpu.memory_space<vmem>> -> memref<16x128xf32, #tpu.memory_space<vmem>>
      %dma_start3A_102 = arith.constant 0 : i32
      %dma_start3A_103 = arith.constant 0 : i32
      %dma_start3A_104 = tpu.memref_slice %arg6[%dma_start3A_102, %dma_start3A_103] : memref<128x128xf32, #tpu.memory_space<vmem>> -> memref<16x128xf32, #tpu.memory_space<vmem>>
      tpu.enqueue_dma source(%arg3 : memref<16x128xf32, #tpu.memory_space<hbm>>) target(%dma_start3A_104 : memref<16x128xf32, #tpu.memory_space<vmem>>) target_semaphore(%run_scoped3A : memref<!tpu.dma_semaphore, #tpu.memory_space<semaphore_mem>>)
      %dma_wait3A_105 = arith.constant 0 : i32
      %dma_wait3A_106 = arith.constant 0 : i32
      %dma_wait3A_107 = tpu.memref_slice %arg6[%dma_wait3A_105, %dma_wait3A_106] : memref<128x128xf32, #tpu.memory_space<vmem>> -> memref<16x128xf32, #tpu.memory_space<vmem>>
      %dma_wait3A_108 = arith.constant 0 : i32
      %dma_wait3A_109 = arith.constant 0 : i32
      %dma_wait3A_110 = tpu.memref_slice %arg6[%dma_wait3A_108, %dma_wait3A_109] : memref<128x128xf32, #tpu.memory_space<vmem>> -> memref<16x128xf32, #tpu.memory_space<vmem>>
      tpu.wait_dma2 semaphore(%run_scoped3A : memref<!tpu.dma_semaphore, #tpu.memory_space<semaphore_mem>>) src(%arg3 : memref<16x128xf32, #tpu.memory_space<hbm>>) dst(%dma_wait3A_110 : memref<16x128xf32, #tpu.memory_space<vmem>>)
      tpu.yield
    }) : () -> ()
    "tpu.region"() ({
      %run_scoped3A = tpu.sem_alloc : memref<!tpu.dma_semaphore, #tpu.memory_space<semaphore_mem>>
      %dma_start3A_99 = arith.constant 0 : i32
      %dma_start3A_100 = arith.constant 0 : i32
      %dma_start3A_101 = tpu.memref_slice %arg6[%dma_start3A_99, %dma_start3A_100] : memref<128x128xf32, #tpu.memory_space<vmem>> -> memref<16x128xf32, #tpu.memory_space<vmem>>
      %dma_start3A_102 = arith.constant 0 : i32
      %dma_start3A_103 = arith.constant 0 : i32
      %dma_start3A_104 = tpu.memref_slice %arg11[%arg1, %dma_start3A_102, %dma_start3A_103] : memref<16x16x128xf32, #tpu.memory_space<vmem_shared>> -> memref<1x16x128xf32, #tpu.memory_space<vmem_shared>>
      %dma_start3A_105 = tpu.memref_squeeze %dma_start3A_104 : memref<1x16x128xf32, #tpu.memory_space<vmem_shared>> -> memref<16x128xf32, #tpu.memory_space<vmem_shared>>
      %dma_start3A_106 = arith.constant 0 : i32
      %dma_start3A_107 = arith.constant 0 : i32
      %dma_start3A_108 = tpu.memref_slice %arg11[%arg1, %dma_start3A_106, %dma_start3A_107] : memref<16x16x128xf32, #tpu.memory_space<vmem_shared>> -> memref<1x16x128xf32, #tpu.memory_space<vmem_shared>>
      %dma_start3A_109 = tpu.memref_squeeze %dma_start3A_108 : memref<1x16x128xf32, #tpu.memory_space<vmem_shared>> -> memref<16x128xf32, #tpu.memory_space<vmem_shared>>
      %dma_start3A_110 = arith.constant 0 : i32
      %dma_start3A_111 = arith.constant 0 : i32
      %dma_start3A_112 = tpu.memref_slice %arg6[%dma_start3A_110, %dma_start3A_111] : memref<128x128xf32, #tpu.memory_space<vmem>> -> memref<16x128xf32, #tpu.memory_space<vmem>>
      tpu.enqueue_dma source(%dma_start3A_112 : memref<16x128xf32, #tpu.memory_space<vmem>>) target(%dma_start3A_109 : memref<16x128xf32, #tpu.memory_space<vmem_shared>>) target_semaphore(%run_scoped3A : memref<!tpu.dma_semaphore, #tpu.memory_space<semaphore_mem>>)
      %dma_wait3A_113 = arith.constant 0 : i32
      %dma_wait3A_114 = arith.constant 0 : i32
      %dma_wait3A_115 = tpu.memref_slice %arg6[%dma_wait3A_113, %dma_wait3A_114] : memref<128x128xf32, #tpu.memory_space<vmem>> -> memref<16x128xf32, #tpu.memory_space<vmem>>
      %dma_wait3A_116 = arith.constant 0 : i32
      %dma_wait3A_117 = arith.constant 0 : i32
      %dma_wait3A_118 = tpu.memref_slice %arg11[%arg1, %dma_wait3A_116, %dma_wait3A_117] : memref<16x16x128xf32, #tpu.memory_space<vmem_shared>> -> memref<1x16x128xf32, #tpu.memory_space<vmem_shared>>
      %dma_wait3A_119 = tpu.memref_squeeze %dma_wait3A_118 : memref<1x16x128xf32, #tpu.memory_space<vmem_shared>> -> memref<16x128xf32, #tpu.memory_space<vmem_shared>>
      %dma_wait3A_120 = arith.constant 0 : i32
      %dma_wait3A_121 = arith.constant 0 : i32
      %dma_wait3A_122 = tpu.memref_slice %arg11[%arg1, %dma_wait3A_120, %dma_wait3A_121] : memref<16x16x128xf32, #tpu.memory_space<vmem_shared>> -> memref<1x16x128xf32, #tpu.memory_space<vmem_shared>>
      %dma_wait3A_123 = tpu.memref_squeeze %dma_wait3A_122 : memref<1x16x128xf32, #tpu.memory_space<vmem_shared>> -> memref<16x128xf32, #tpu.memory_space<vmem_shared>>
      %dma_wait3A_124 = arith.constant 0 : i32
      %dma_wait3A_125 = arith.constant 0 : i32
      %dma_wait3A_126 = tpu.memref_slice %arg6[%dma_wait3A_124, %dma_wait3A_125] : memref<128x128xf32, #tpu.memory_space<vmem>> -> memref<16x128xf32, #tpu.memory_space<vmem>>
      tpu.wait_dma2 semaphore(%run_scoped3A : memref<!tpu.dma_semaphore, #tpu.memory_space<semaphore_mem>>) src(%dma_wait3A_126 : memref<16x128xf32, #tpu.memory_space<vmem>>) dst(%dma_wait3A_123 : memref<16x128xf32, #tpu.memory_space<vmem_shared>>)
      tpu.yield
    }) : () -> ()
    %dma_wait3A = arith.constant 0 : i32
    %dma_wait3A_6 = tpu.memref_slice %arg2[%mul3A_2, %dma_wait3A] : memref<6400x128xi32, #tpu.memory_space<hbm>> -> memref<200x128xi32, #tpu.memory_space<hbm>>
    %dma_wait3A_7 = arith.constant 0 : i32
    %dma_wait3A_8 = tpu.memref_slice %arg2[%mul3A_2, %dma_wait3A_7] : memref<6400x128xi32, #tpu.memory_space<hbm>> -> memref<200x128xi32, #tpu.memory_space<hbm>>
    tpu.wait_dma2 semaphore(%arg22 : memref<!tpu.dma_semaphore, #tpu.memory_space<semaphore_mem>>) src(%dma_wait3A_8 : memref<200x128xi32, #tpu.memory_space<hbm>>) dst(%arg5 : memref<200x128xi32, #tpu.memory_space<vmem>>)
    %dma_start3A_9 = arith.constant 0 : i32
    %dma_start3A_10 = arith.constant 0 : i32
    %dma_start3A_11 = tpu.memref_slice %arg5[%dma_start3A_9, %dma_start3A_10] : memref<200x128xi32, #tpu.memory_space<vmem>> -> memref<1x128xi32, #tpu.memory_space<vmem>>
    %dma_start3A_12 = tpu.memref_squeeze %dma_start3A_11 : memref<1x128xi32, #tpu.memory_space<vmem>> -> memref<128xi32, #tpu.memory_space<vmem>>
    %dma_start3A_13 = arith.constant 0 : i32
    %dma_start3A_14 = arith.constant 0 : i32
    %dma_start3A_15 = tpu.memref_slice %arg11[%arg1, %dma_start3A_13, %dma_start3A_14] : memref<16x16x128xf32, #tpu.memory_space<vmem_shared>> -> memref<1x16x128xf32, #tpu.memory_space<vmem_shared>>
    %dma_start3A_16 = tpu.memref_squeeze %dma_start3A_15 : memref<1x16x128xf32, #tpu.memory_space<vmem_shared>> -> memref<16x128xf32, #tpu.memory_space<vmem_shared>>
    %dma_start3A_17 = arith.constant 0 : i32
    %dma_start3A_18 = arith.constant 0 : i32
    %dma_start3A_19 = tpu.memref_slice %dma_start3A_16[%dma_start3A_17, %dma_start3A_18] : memref<16x128xf32, #tpu.memory_space<vmem_shared>> -> memref<16x128xf32, #tpu.memory_space<vmem_shared>>
    tpu.enqueue_indirect_dma source(%dma_start3A_19 : memref<16x128xf32, #tpu.memory_space<vmem_shared>>) target(%arg6 : memref<128x128xf32, #tpu.memory_space<vmem>>) offsets(%dma_start3A_12 : memref<128xi32, #tpu.memory_space<vmem>>) semaphore(%arg12 : memref<!tpu.dma_semaphore, #tpu.memory_space<semaphore_mem>>)
    %dma_start3A_20 = arith.constant 1 : i32
    %dma_start3A_21 = arith.constant 0 : i32
    %dma_start3A_22 = tpu.memref_slice %arg5[%dma_start3A_20, %dma_start3A_21] : memref<200x128xi32, #tpu.memory_space<vmem>> -> memref<1x128xi32, #tpu.memory_space<vmem>>
    %dma_start3A_23 = tpu.memref_squeeze %dma_start3A_22 : memref<1x128xi32, #tpu.memory_space<vmem>> -> memref<128xi32, #tpu.memory_space<vmem>>
    %dma_start3A_24 = arith.constant 0 : i32
    %dma_start3A_25 = arith.constant 0 : i32
    %dma_start3A_26 = tpu.memref_slice %arg11[%arg1, %dma_start3A_24, %dma_start3A_25] : memref<16x16x128xf32, #tpu.memory_space<vmem_shared>> -> memref<1x16x128xf32, #tpu.memory_space<vmem_shared>>
    %dma_start3A_27 = tpu.memref_squeeze %dma_start3A_26 : memref<1x16x128xf32, #tpu.memory_space<vmem_shared>> -> memref<16x128xf32, #tpu.memory_space<vmem_shared>>
    %dma_start3A_28 = arith.constant 0 : i32
    %dma_start3A_29 = arith.constant 0 : i32
    %dma_start3A_30 = tpu.memref_slice %dma_start3A_27[%dma_start3A_28, %dma_start3A_29] : memref<16x128xf32, #tpu.memory_space<vmem_shared>> -> memref<16x128xf32, #tpu.memory_space<vmem_shared>>
    tpu.enqueue_indirect_dma source(%dma_start3A_30 : memref<16x128xf32, #tpu.memory_space<vmem_shared>>) target(%arg7 : memref<128x128xf32, #tpu.memory_space<vmem>>) offsets(%dma_start3A_23 : memref<128xi32, #tpu.memory_space<vmem>>) semaphore(%arg13 : memref<!tpu.dma_semaphore, #tpu.memory_space<semaphore_mem>>)
    %dma_start3A_31 = arith.constant 2 : i32
    %dma_start3A_32 = arith.constant 0 : i32
    %dma_start3A_33 = tpu.memref_slice %arg5[%dma_start3A_31, %dma_start3A_32] : memref<200x128xi32, #tpu.memory_space<vmem>> -> memref<1x128xi32, #tpu.memory_space<vmem>>
    %dma_start3A_34 = tpu.memref_squeeze %dma_start3A_33 : memref<1x128xi32, #tpu.memory_space<vmem>> -> memref<128xi32, #tpu.memory_space<vmem>>
    %dma_start3A_35 = arith.constant 0 : i32
    %dma_start3A_36 = arith.constant 0 : i32
    %dma_start3A_37 = tpu.memref_slice %arg11[%arg1, %dma_start3A_35, %dma_start3A_36] : memref<16x16x128xf32, #tpu.memory_space<vmem_shared>> -> memref<1x16x128xf32, #tpu.memory_space<vmem_shared>>
    %dma_start3A_38 = tpu.memref_squeeze %dma_start3A_37 : memref<1x16x128xf32, #tpu.memory_space<vmem_shared>> -> memref<16x128xf32, #tpu.memory_space<vmem_shared>>
    %dma_start3A_39 = arith.constant 0 : i32
    %dma_start3A_40 = arith.constant 0 : i32
    %dma_start3A_41 = tpu.memref_slice %dma_start3A_38[%dma_start3A_39, %dma_start3A_40] : memref<16x128xf32, #tpu.memory_space<vmem_shared>> -> memref<16x128xf32, #tpu.memory_space<vmem_shared>>
    tpu.enqueue_indirect_dma source(%dma_start3A_41 : memref<16x128xf32, #tpu.memory_space<vmem_shared>>) target(%arg8 : memref<128x128xf32, #tpu.memory_space<vmem>>) offsets(%dma_start3A_34 : memref<128xi32, #tpu.memory_space<vmem>>) semaphore(%arg14 : memref<!tpu.dma_semaphore, #tpu.memory_space<semaphore_mem>>)
    %dma_start3A_42 = arith.constant 3 : i32
    %dma_start3A_43 = arith.constant 0 : i32
    %dma_start3A_44 = tpu.memref_slice %arg5[%dma_start3A_42, %dma_start3A_43] : memref<200x128xi32, #tpu.memory_space<vmem>> -> memref<1x128xi32, #tpu.memory_space<vmem>>
    %dma_start3A_45 = tpu.memref_squeeze %dma_start3A_44 : memref<1x128xi32, #tpu.memory_space<vmem>> -> memref<128xi32, #tpu.memory_space<vmem>>
    %dma_start3A_46 = arith.constant 0 : i32
    %dma_start3A_47 = arith.constant 0 : i32
    %dma_start3A_48 = tpu.memref_slice %arg11[%arg1, %dma_start3A_46, %dma_start3A_47] : memref<16x16x128xf32, #tpu.memory_space<vmem_shared>> -> memref<1x16x128xf32, #tpu.memory_space<vmem_shared>>
    %dma_start3A_49 = tpu.memref_squeeze %dma_start3A_48 : memref<1x16x128xf32, #tpu.memory_space<vmem_shared>> -> memref<16x128xf32, #tpu.memory_space<vmem_shared>>
    %dma_start3A_50 = arith.constant 0 : i32
    %dma_start3A_51 = arith.constant 0 : i32
    %dma_start3A_52 = tpu.memref_slice %dma_start3A_49[%dma_start3A_50, %dma_start3A_51] : memref<16x128xf32, #tpu.memory_space<vmem_shared>> -> memref<16x128xf32, #tpu.memory_space<vmem_shared>>
    tpu.enqueue_indirect_dma source(%dma_start3A_52 : memref<16x128xf32, #tpu.memory_space<vmem_shared>>) target(%arg9 : memref<128x128xf32, #tpu.memory_space<vmem>>) offsets(%dma_start3A_45 : memref<128xi32, #tpu.memory_space<vmem>>) semaphore(%arg15 : memref<!tpu.dma_semaphore, #tpu.memory_space<semaphore_mem>>)
    %dma_start3A_53 = arith.constant 4 : i32
    %dma_start3A_54 = arith.constant 0 : i32
    %dma_start3A_55 = tpu.memref_slice %arg5[%dma_start3A_53, %dma_start3A_54] : memref<200x128xi32, #tpu.memory_space<vmem>> -> memref<1x128xi32, #tpu.memory_space<vmem>>
    %dma_start3A_56 = tpu.memref_squeeze %dma_start3A_55 : memref<1x128xi32, #tpu.memory_space<vmem>> -> memref<128xi32, #tpu.memory_space<vmem>>
    %dma_start3A_57 = arith.constant 0 : i32
    %dma_start3A_58 = arith.constant 0 : i32
    %dma_start3A_59 = tpu.memref_slice %arg11[%arg1, %dma_start3A_57, %dma_start3A_58] : memref<16x16x128xf32, #tpu.memory_space<vmem_shared>> -> memref<1x16x128xf32, #tpu.memory_space<vmem_shared>>
    %dma_start3A_60 = tpu.memref_squeeze %dma_start3A_59 : memref<1x16x128xf32, #tpu.memory_space<vmem_shared>> -> memref<16x128xf32, #tpu.memory_space<vmem_shared>>
    %dma_start3A_61 = arith.constant 0 : i32
    %dma_start3A_62 = arith.constant 0 : i32
    %dma_start3A_63 = tpu.memref_slice %dma_start3A_60[%dma_start3A_61, %dma_start3A_62] : memref<16x128xf32, #tpu.memory_space<vmem_shared>> -> memref<16x128xf32, #tpu.memory_space<vmem_shared>>
    tpu.enqueue_indirect_dma source(%dma_start3A_63 : memref<16x128xf32, #tpu.memory_space<vmem_shared>>) target(%arg10 : memref<128x128xf32, #tpu.memory_space<vmem>>) offsets(%dma_start3A_56 : memref<128xi32, #tpu.memory_space<vmem>>) semaphore(%arg16 : memref<!tpu.dma_semaphore, #tpu.memory_space<semaphore_mem>>)
    %scan3A = arith.constant 0 : i32
    %scan3A_64 = arith.constant 0 : i32
    %scan3A_65 = arith.constant 40 : i32
    %scan3A_66 = arith.addi %scan3A_64, %scan3A_65 : i32
    %scan3A_67 = arith.constant 1 : i32
    scf.for %scan3A_99 = %scan3A_64 to %scan3A_66 step %scan3A_67  : i32 {
      %mul3A_100 = arith.constant 5 : i32
      %mul3A_101 = arith.muli %scan3A_99, %mul3A_100 : i32
      %dma_wait3A_102 = arith.constant 0 : i32
      %dma_wait3A_103 = arith.constant 0 : i32
      %dma_wait3A_104 = tpu.memref_slice %arg5[%dma_wait3A_102, %dma_wait3A_103] : memref<200x128xi32, #tpu.memory_space<vmem>> -> memref<1x128xi32, #tpu.memory_space<vmem>>
      %dma_wait3A_105 = tpu.memref_squeeze %dma_wait3A_104 : memref<1x128xi32, #tpu.memory_space<vmem>> -> memref<128xi32, #tpu.memory_space<vmem>>
      %dma_wait3A_106 = arith.constant 0 : i32
      %dma_wait3A_107 = arith.constant 0 : i32
      %dma_wait3A_108 = tpu.memref_slice %arg11[%arg1, %dma_wait3A_106, %dma_wait3A_107] : memref<16x16x128xf32, #tpu.memory_space<vmem_shared>> -> memref<1x16x128xf32, #tpu.memory_space<vmem_shared>>
      %dma_wait3A_109 = tpu.memref_squeeze %dma_wait3A_108 : memref<1x16x128xf32, #tpu.memory_space<vmem_shared>> -> memref<16x128xf32, #tpu.memory_space<vmem_shared>>
      %dma_wait3A_110 = arith.constant 0 : i32
      %dma_wait3A_111 = arith.constant 0 : i32
      %dma_wait3A_112 = tpu.memref_slice %dma_wait3A_109[%dma_wait3A_110, %dma_wait3A_111] : memref<16x128xf32, #tpu.memory_space<vmem_shared>> -> memref<16x128xf32, #tpu.memory_space<vmem_shared>>
      tpu.wait_indirect_dma semaphore(%arg12 : memref<!tpu.dma_semaphore, #tpu.memory_space<semaphore_mem>>) src(%dma_wait3A_112 : memref<16x128xf32, #tpu.memory_space<vmem_shared>>) dst(%arg6 : memref<128x128xf32, #tpu.memory_space<vmem>>)
      %add3A_113 = arith.addi %mul3A_2, %mul3A_101 : i32
      %add3A_114 = arith.constant 0 : i32
      %add3A_115 = arith.addi %add3A_113, %add3A_114 : i32
      %mul3A_116 = arith.constant 128 : i32
      %mul3A_117 = arith.muli %add3A_115, %mul3A_116 : i32
      %dma_start3A_118 = arith.constant 0 : i32
      %dma_start3A_119 = tpu.memref_slice %arg4[%mul3A_117, %dma_start3A_118] : memref<819200x128xf32, #tpu.memory_space<hbm>> -> memref<128x128xf32, #tpu.memory_space<hbm>>
      %dma_start3A_120 = arith.constant 0 : i32
      %dma_start3A_121 = tpu.memref_slice %arg4[%mul3A_117, %dma_start3A_120] : memref<819200x128xf32, #tpu.memory_space<hbm>> -> memref<128x128xf32, #tpu.memory_space<hbm>>
      tpu.enqueue_dma source(%arg6 : memref<128x128xf32, #tpu.memory_space<vmem>>) target(%dma_start3A_121 : memref<128x128xf32, #tpu.memory_space<hbm>>) target_semaphore(%arg17 : memref<!tpu.dma_semaphore, #tpu.memory_space<semaphore_mem>>)
      %dma_wait3A_122 = arith.constant 0 : i32
      %dma_wait3A_123 = arith.constant 0 : i32
      %dma_wait3A_124 = tpu.memref_slice %arg5[%dma_wait3A_122, %dma_wait3A_123] : memref<200x128xi32, #tpu.memory_space<vmem>> -> memref<1x128xi32, #tpu.memory_space<vmem>>
      %dma_wait3A_125 = tpu.memref_squeeze %dma_wait3A_124 : memref<1x128xi32, #tpu.memory_space<vmem>> -> memref<128xi32, #tpu.memory_space<vmem>>
      %dma_wait3A_126 = arith.constant 0 : i32
      %dma_wait3A_127 = arith.constant 0 : i32
      %dma_wait3A_128 = tpu.memref_slice %arg11[%arg1, %dma_wait3A_126, %dma_wait3A_127] : memref<16x16x128xf32, #tpu.memory_space<vmem_shared>> -> memref<1x16x128xf32, #tpu.memory_space<vmem_shared>>
      %dma_wait3A_129 = tpu.memref_squeeze %dma_wait3A_128 : memref<1x16x128xf32, #tpu.memory_space<vmem_shared>> -> memref<16x128xf32, #tpu.memory_space<vmem_shared>>
      %dma_wait3A_130 = arith.constant 0 : i32
      %dma_wait3A_131 = arith.constant 0 : i32
      %dma_wait3A_132 = tpu.memref_slice %dma_wait3A_129[%dma_wait3A_130, %dma_wait3A_131] : memref<16x128xf32, #tpu.memory_space<vmem_shared>> -> memref<16x128xf32, #tpu.memory_space<vmem_shared>>
      tpu.wait_indirect_dma semaphore(%arg13 : memref<!tpu.dma_semaphore, #tpu.memory_space<semaphore_mem>>) src(%dma_wait3A_132 : memref<16x128xf32, #tpu.memory_space<vmem_shared>>) dst(%arg7 : memref<128x128xf32, #tpu.memory_space<vmem>>)
      %add3A_133 = arith.addi %mul3A_2, %mul3A_101 : i32
      %add3A_134 = arith.constant 1 : i32
      %add3A_135 = arith.addi %add3A_133, %add3A_134 : i32
      %mul3A_136 = arith.constant 128 : i32
      %mul3A_137 = arith.muli %add3A_135, %mul3A_136 : i32
      %dma_start3A_138 = arith.constant 0 : i32
      %dma_start3A_139 = tpu.memref_slice %arg4[%mul3A_137, %dma_start3A_138] : memref<819200x128xf32, #tpu.memory_space<hbm>> -> memref<128x128xf32, #tpu.memory_space<hbm>>
      %dma_start3A_140 = arith.constant 0 : i32
      %dma_start3A_141 = tpu.memref_slice %arg4[%mul3A_137, %dma_start3A_140] : memref<819200x128xf32, #tpu.memory_space<hbm>> -> memref<128x128xf32, #tpu.memory_space<hbm>>
      tpu.enqueue_dma source(%arg7 : memref<128x128xf32, #tpu.memory_space<vmem>>) target(%dma_start3A_141 : memref<128x128xf32, #tpu.memory_space<hbm>>) target_semaphore(%arg18 : memref<!tpu.dma_semaphore, #tpu.memory_space<semaphore_mem>>)
      %dma_wait3A_142 = arith.constant 0 : i32
      %dma_wait3A_143 = arith.constant 0 : i32
      %dma_wait3A_144 = tpu.memref_slice %arg5[%dma_wait3A_142, %dma_wait3A_143] : memref<200x128xi32, #tpu.memory_space<vmem>> -> memref<1x128xi32, #tpu.memory_space<vmem>>
      %dma_wait3A_145 = tpu.memref_squeeze %dma_wait3A_144 : memref<1x128xi32, #tpu.memory_space<vmem>> -> memref<128xi32, #tpu.memory_space<vmem>>
      %dma_wait3A_146 = arith.constant 0 : i32
      %dma_wait3A_147 = arith.constant 0 : i32
      %dma_wait3A_148 = tpu.memref_slice %arg11[%arg1, %dma_wait3A_146, %dma_wait3A_147] : memref<16x16x128xf32, #tpu.memory_space<vmem_shared>> -> memref<1x16x128xf32, #tpu.memory_space<vmem_shared>>
      %dma_wait3A_149 = tpu.memref_squeeze %dma_wait3A_148 : memref<1x16x128xf32, #tpu.memory_space<vmem_shared>> -> memref<16x128xf32, #tpu.memory_space<vmem_shared>>
      %dma_wait3A_150 = arith.constant 0 : i32
      %dma_wait3A_151 = arith.constant 0 : i32
      %dma_wait3A_152 = tpu.memref_slice %dma_wait3A_149[%dma_wait3A_150, %dma_wait3A_151] : memref<16x128xf32, #tpu.memory_space<vmem_shared>> -> memref<16x128xf32, #tpu.memory_space<vmem_shared>>
      tpu.wait_indirect_dma semaphore(%arg14 : memref<!tpu.dma_semaphore, #tpu.memory_space<semaphore_mem>>) src(%dma_wait3A_152 : memref<16x128xf32, #tpu.memory_space<vmem_shared>>) dst(%arg8 : memref<128x128xf32, #tpu.memory_space<vmem>>)
      %add3A_153 = arith.addi %mul3A_2, %mul3A_101 : i32
      %add3A_154 = arith.constant 2 : i32
      %add3A_155 = arith.addi %add3A_153, %add3A_154 : i32
      %mul3A_156 = arith.constant 128 : i32
      %mul3A_157 = arith.muli %add3A_155, %mul3A_156 : i32
      %dma_start3A_158 = arith.constant 0 : i32
      %dma_start3A_159 = tpu.memref_slice %arg4[%mul3A_157, %dma_start3A_158] : memref<819200x128xf32, #tpu.memory_space<hbm>> -> memref<128x128xf32, #tpu.memory_space<hbm>>
      %dma_start3A_160 = arith.constant 0 : i32
      %dma_start3A_161 = tpu.memref_slice %arg4[%mul3A_157, %dma_start3A_160] : memref<819200x128xf32, #tpu.memory_space<hbm>> -> memref<128x128xf32, #tpu.memory_space<hbm>>
      tpu.enqueue_dma source(%arg8 : memref<128x128xf32, #tpu.memory_space<vmem>>) target(%dma_start3A_161 : memref<128x128xf32, #tpu.memory_space<hbm>>) target_semaphore(%arg19 : memref<!tpu.dma_semaphore, #tpu.memory_space<semaphore_mem>>)
      %dma_wait3A_162 = arith.constant 0 : i32
      %dma_wait3A_163 = arith.constant 0 : i32
      %dma_wait3A_164 = tpu.memref_slice %arg5[%dma_wait3A_162, %dma_wait3A_163] : memref<200x128xi32, #tpu.memory_space<vmem>> -> memref<1x128xi32, #tpu.memory_space<vmem>>
      %dma_wait3A_165 = tpu.memref_squeeze %dma_wait3A_164 : memref<1x128xi32, #tpu.memory_space<vmem>> -> memref<128xi32, #tpu.memory_space<vmem>>
      %dma_wait3A_166 = arith.constant 0 : i32
      %dma_wait3A_167 = arith.constant 0 : i32
      %dma_wait3A_168 = tpu.memref_slice %arg11[%arg1, %dma_wait3A_166, %dma_wait3A_167] : memref<16x16x128xf32, #tpu.memory_space<vmem_shared>> -> memref<1x16x128xf32, #tpu.memory_space<vmem_shared>>
      %dma_wait3A_169 = tpu.memref_squeeze %dma_wait3A_168 : memref<1x16x128xf32, #tpu.memory_space<vmem_shared>> -> memref<16x128xf32, #tpu.memory_space<vmem_shared>>
      %dma_wait3A_170 = arith.constant 0 : i32
      %dma_wait3A_171 = arith.constant 0 : i32
      %dma_wait3A_172 = tpu.memref_slice %dma_wait3A_169[%dma_wait3A_170, %dma_wait3A_171] : memref<16x128xf32, #tpu.memory_space<vmem_shared>> -> memref<16x128xf32, #tpu.memory_space<vmem_shared>>
      tpu.wait_indirect_dma semaphore(%arg15 : memref<!tpu.dma_semaphore, #tpu.memory_space<semaphore_mem>>) src(%dma_wait3A_172 : memref<16x128xf32, #tpu.memory_space<vmem_shared>>) dst(%arg9 : memref<128x128xf32, #tpu.memory_space<vmem>>)
      %add3A_173 = arith.addi %mul3A_2, %mul3A_101 : i32
      %add3A_174 = arith.constant 3 : i32
      %add3A_175 = arith.addi %add3A_173, %add3A_174 : i32
      %mul3A_176 = arith.constant 128 : i32
      %mul3A_177 = arith.muli %add3A_175, %mul3A_176 : i32
      %dma_start3A_178 = arith.constant 0 : i32
      %dma_start3A_179 = tpu.memref_slice %arg4[%mul3A_177, %dma_start3A_178] : memref<819200x128xf32, #tpu.memory_space<hbm>> -> memref<128x128xf32, #tpu.memory_space<hbm>>
      %dma_start3A_180 = arith.constant 0 : i32
      %dma_start3A_181 = tpu.memref_slice %arg4[%mul3A_177, %dma_start3A_180] : memref<819200x128xf32, #tpu.memory_space<hbm>> -> memref<128x128xf32, #tpu.memory_space<hbm>>
      tpu.enqueue_dma source(%arg9 : memref<128x128xf32, #tpu.memory_space<vmem>>) target(%dma_start3A_181 : memref<128x128xf32, #tpu.memory_space<hbm>>) target_semaphore(%arg20 : memref<!tpu.dma_semaphore, #tpu.memory_space<semaphore_mem>>)
      %dma_wait3A_182 = arith.constant 0 : i32
      %dma_wait3A_183 = arith.constant 0 : i32
      %dma_wait3A_184 = tpu.memref_slice %arg5[%dma_wait3A_182, %dma_wait3A_183] : memref<200x128xi32, #tpu.memory_space<vmem>> -> memref<1x128xi32, #tpu.memory_space<vmem>>
      %dma_wait3A_185 = tpu.memref_squeeze %dma_wait3A_184 : memref<1x128xi32, #tpu.memory_space<vmem>> -> memref<128xi32, #tpu.memory_space<vmem>>
      %dma_wait3A_186 = arith.constant 0 : i32
      %dma_wait3A_187 = arith.constant 0 : i32
      %dma_wait3A_188 = tpu.memref_slice %arg11[%arg1, %dma_wait3A_186, %dma_wait3A_187] : memref<16x16x128xf32, #tpu.memory_space<vmem_shared>> -> memref<1x16x128xf32, #tpu.memory_space<vmem_shared>>
      %dma_wait3A_189 = tpu.memref_squeeze %dma_wait3A_188 : memref<1x16x128xf32, #tpu.memory_space<vmem_shared>> -> memref<16x128xf32, #tpu.memory_space<vmem_shared>>
      %dma_wait3A_190 = arith.constant 0 : i32
      %dma_wait3A_191 = arith.constant 0 : i32
      %dma_wait3A_192 = tpu.memref_slice %dma_wait3A_189[%dma_wait3A_190, %dma_wait3A_191] : memref<16x128xf32, #tpu.memory_space<vmem_shared>> -> memref<16x128xf32, #tpu.memory_space<vmem_shared>>
      tpu.wait_indirect_dma semaphore(%arg16 : memref<!tpu.dma_semaphore, #tpu.memory_space<semaphore_mem>>) src(%dma_wait3A_192 : memref<16x128xf32, #tpu.memory_space<vmem_shared>>) dst(%arg10 : memref<128x128xf32, #tpu.memory_space<vmem>>)
      %add3A_193 = arith.addi %mul3A_2, %mul3A_101 : i32
      %add3A_194 = arith.constant 4 : i32
      %add3A_195 = arith.addi %add3A_193, %add3A_194 : i32
      %mul3A_196 = arith.constant 128 : i32
      %mul3A_197 = arith.muli %add3A_195, %mul3A_196 : i32
      %dma_start3A_198 = arith.constant 0 : i32
      %dma_start3A_199 = tpu.memref_slice %arg4[%mul3A_197, %dma_start3A_198] : memref<819200x128xf32, #tpu.memory_space<hbm>> -> memref<128x128xf32, #tpu.memory_space<hbm>>
      %dma_start3A_200 = arith.constant 0 : i32
      %dma_start3A_201 = tpu.memref_slice %arg4[%mul3A_197, %dma_start3A_200] : memref<819200x128xf32, #tpu.memory_space<hbm>> -> memref<128x128xf32, #tpu.memory_space<hbm>>
      tpu.enqueue_dma source(%arg10 : memref<128x128xf32, #tpu.memory_space<vmem>>) target(%dma_start3A_201 : memref<128x128xf32, #tpu.memory_space<hbm>>) target_semaphore(%arg21 : memref<!tpu.dma_semaphore, #tpu.memory_space<semaphore_mem>>)
      %add3A_202 = arith.constant 0 : i32
      %add3A_203 = arith.addi %mul3A_101, %add3A_202 : i32
      %add3A_204 = arith.constant 5 : i32
      %add3A_205 = arith.addi %add3A_203, %add3A_204 : i32
      %lt3A = arith.constant 200 : i32
      %lt3A_206 = arith.cmpi slt, %add3A_205, %lt3A : i32
      %convert_element_type3A = arith.extui %lt3A_206 : i1 to i32
      %cond3A = arith.constant 0 : i32
      %cond3A_207 = arith.cmpi ne, %convert_element_type3A, %cond3A : i32
      scf.if %cond3A_207 {
        %dma_wait3A_244 = arith.constant 0 : i32
        %dma_wait3A_245 = arith.constant 0 : i32
        %dma_wait3A_246 = tpu.memref_slice %arg4[%dma_wait3A_244, %dma_wait3A_245] : memref<819200x128xf32, #tpu.memory_space<hbm>> -> memref<128x128xf32, #tpu.memory_space<hbm>>
        %dma_wait3A_247 = arith.constant 0 : i32
        %dma_wait3A_248 = arith.constant 0 : i32
        %dma_wait3A_249 = tpu.memref_slice %arg4[%dma_wait3A_247, %dma_wait3A_248] : memref<819200x128xf32, #tpu.memory_space<hbm>> -> memref<128x128xf32, #tpu.memory_space<hbm>>
        tpu.wait_dma2 semaphore(%arg17 : memref<!tpu.dma_semaphore, #tpu.memory_space<semaphore_mem>>) src(%arg6 : memref<128x128xf32, #tpu.memory_space<vmem>>) dst(%dma_wait3A_249 : memref<128x128xf32, #tpu.memory_space<hbm>>)
        %dma_start3A_250 = arith.constant 0 : i32
        %dma_start3A_251 = tpu.memref_slice %arg5[%add3A_205, %dma_start3A_250] : memref<200x128xi32, #tpu.memory_space<vmem>> -> memref<1x128xi32, #tpu.memory_space<vmem>>
        %dma_start3A_252 = tpu.memref_squeeze %dma_start3A_251 : memref<1x128xi32, #tpu.memory_space<vmem>> -> memref<128xi32, #tpu.memory_space<vmem>>
        %dma_start3A_253 = arith.constant 0 : i32
        %dma_start3A_254 = arith.constant 0 : i32
        %dma_start3A_255 = tpu.memref_slice %arg11[%arg1, %dma_start3A_253, %dma_start3A_254] : memref<16x16x128xf32, #tpu.memory_space<vmem_shared>> -> memref<1x16x128xf32, #tpu.memory_space<vmem_shared>>
        %dma_start3A_256 = tpu.memref_squeeze %dma_start3A_255 : memref<1x16x128xf32, #tpu.memory_space<vmem_shared>> -> memref<16x128xf32, #tpu.memory_space<vmem_shared>>
        %dma_start3A_257 = arith.constant 0 : i32
        %dma_start3A_258 = arith.constant 0 : i32
        %dma_start3A_259 = tpu.memref_slice %dma_start3A_256[%dma_start3A_257, %dma_start3A_258] : memref<16x128xf32, #tpu.memory_space<vmem_shared>> -> memref<16x128xf32, #tpu.memory_space<vmem_shared>>
        tpu.enqueue_indirect_dma source(%dma_start3A_259 : memref<16x128xf32, #tpu.memory_space<vmem_shared>>) target(%arg6 : memref<128x128xf32, #tpu.memory_space<vmem>>) offsets(%dma_start3A_252 : memref<128xi32, #tpu.memory_space<vmem>>) semaphore(%arg12 : memref<!tpu.dma_semaphore, #tpu.memory_space<semaphore_mem>>)
      } else {
      }
      %add3A_208 = arith.constant 1 : i32
      %add3A_209 = arith.addi %mul3A_101, %add3A_208 : i32
      %add3A_210 = arith.constant 5 : i32
      %add3A_211 = arith.addi %add3A_209, %add3A_210 : i32
      %lt3A_212 = arith.constant 200 : i32
      %lt3A_213 = arith.cmpi slt, %add3A_211, %lt3A_212 : i32
      %convert_element_type3A_214 = arith.extui %lt3A_213 : i1 to i32
      %cond3A_215 = arith.constant 0 : i32
      %cond3A_216 = arith.cmpi ne, %convert_element_type3A_214, %cond3A_215 : i32
      scf.if %cond3A_216 {
        %dma_wait3A_244 = arith.constant 0 : i32
        %dma_wait3A_245 = arith.constant 0 : i32
        %dma_wait3A_246 = tpu.memref_slice %arg4[%dma_wait3A_244, %dma_wait3A_245] : memref<819200x128xf32, #tpu.memory_space<hbm>> -> memref<128x128xf32, #tpu.memory_space<hbm>>
        %dma_wait3A_247 = arith.constant 0 : i32
        %dma_wait3A_248 = arith.constant 0 : i32
        %dma_wait3A_249 = tpu.memref_slice %arg4[%dma_wait3A_247, %dma_wait3A_248] : memref<819200x128xf32, #tpu.memory_space<hbm>> -> memref<128x128xf32, #tpu.memory_space<hbm>>
        tpu.wait_dma2 semaphore(%arg18 : memref<!tpu.dma_semaphore, #tpu.memory_space<semaphore_mem>>) src(%arg7 : memref<128x128xf32, #tpu.memory_space<vmem>>) dst(%dma_wait3A_249 : memref<128x128xf32, #tpu.memory_space<hbm>>)
        %dma_start3A_250 = arith.constant 0 : i32
        %dma_start3A_251 = tpu.memref_slice %arg5[%add3A_211, %dma_start3A_250] : memref<200x128xi32, #tpu.memory_space<vmem>> -> memref<1x128xi32, #tpu.memory_space<vmem>>
        %dma_start3A_252 = tpu.memref_squeeze %dma_start3A_251 : memref<1x128xi32, #tpu.memory_space<vmem>> -> memref<128xi32, #tpu.memory_space<vmem>>
        %dma_start3A_253 = arith.constant 0 : i32
        %dma_start3A_254 = arith.constant 0 : i32
        %dma_start3A_255 = tpu.memref_slice %arg11[%arg1, %dma_start3A_253, %dma_start3A_254] : memref<16x16x128xf32, #tpu.memory_space<vmem_shared>> -> memref<1x16x128xf32, #tpu.memory_space<vmem_shared>>
        %dma_start3A_256 = tpu.memref_squeeze %dma_start3A_255 : memref<1x16x128xf32, #tpu.memory_space<vmem_shared>> -> memref<16x128xf32, #tpu.memory_space<vmem_shared>>
        %dma_start3A_257 = arith.constant 0 : i32
        %dma_start3A_258 = arith.constant 0 : i32
        %dma_start3A_259 = tpu.memref_slice %dma_start3A_256[%dma_start3A_257, %dma_start3A_258] : memref<16x128xf32, #tpu.memory_space<vmem_shared>> -> memref<16x128xf32, #tpu.memory_space<vmem_shared>>
        tpu.enqueue_indirect_dma source(%dma_start3A_259 : memref<16x128xf32, #tpu.memory_space<vmem_shared>>) target(%arg7 : memref<128x128xf32, #tpu.memory_space<vmem>>) offsets(%dma_start3A_252 : memref<128xi32, #tpu.memory_space<vmem>>) semaphore(%arg13 : memref<!tpu.dma_semaphore, #tpu.memory_space<semaphore_mem>>)
      } else {
      }
      %add3A_217 = arith.constant 2 : i32
      %add3A_218 = arith.addi %mul3A_101, %add3A_217 : i32
      %add3A_219 = arith.constant 5 : i32
      %add3A_220 = arith.addi %add3A_218, %add3A_219 : i32
      %lt3A_221 = arith.constant 200 : i32
      %lt3A_222 = arith.cmpi slt, %add3A_220, %lt3A_221 : i32
      %convert_element_type3A_223 = arith.extui %lt3A_222 : i1 to i32
      %cond3A_224 = arith.constant 0 : i32
      %cond3A_225 = arith.cmpi ne, %convert_element_type3A_223, %cond3A_224 : i32
      scf.if %cond3A_225 {
        %dma_wait3A_244 = arith.constant 0 : i32
        %dma_wait3A_245 = arith.constant 0 : i32
        %dma_wait3A_246 = tpu.memref_slice %arg4[%dma_wait3A_244, %dma_wait3A_245] : memref<819200x128xf32, #tpu.memory_space<hbm>> -> memref<128x128xf32, #tpu.memory_space<hbm>>
        %dma_wait3A_247 = arith.constant 0 : i32
        %dma_wait3A_248 = arith.constant 0 : i32
        %dma_wait3A_249 = tpu.memref_slice %arg4[%dma_wait3A_247, %dma_wait3A_248] : memref<819200x128xf32, #tpu.memory_space<hbm>> -> memref<128x128xf32, #tpu.memory_space<hbm>>
        tpu.wait_dma2 semaphore(%arg19 : memref<!tpu.dma_semaphore, #tpu.memory_space<semaphore_mem>>) src(%arg8 : memref<128x128xf32, #tpu.memory_space<vmem>>) dst(%dma_wait3A_249 : memref<128x128xf32, #tpu.memory_space<hbm>>)
        %dma_start3A_250 = arith.constant 0 : i32
        %dma_start3A_251 = tpu.memref_slice %arg5[%add3A_220, %dma_start3A_250] : memref<200x128xi32, #tpu.memory_space<vmem>> -> memref<1x128xi32, #tpu.memory_space<vmem>>
        %dma_start3A_252 = tpu.memref_squeeze %dma_start3A_251 : memref<1x128xi32, #tpu.memory_space<vmem>> -> memref<128xi32, #tpu.memory_space<vmem>>
        %dma_start3A_253 = arith.constant 0 : i32
        %dma_start3A_254 = arith.constant 0 : i32
        %dma_start3A_255 = tpu.memref_slice %arg11[%arg1, %dma_start3A_253, %dma_start3A_254] : memref<16x16x128xf32, #tpu.memory_space<vmem_shared>> -> memref<1x16x128xf32, #tpu.memory_space<vmem_shared>>
        %dma_start3A_256 = tpu.memref_squeeze %dma_start3A_255 : memref<1x16x128xf32, #tpu.memory_space<vmem_shared>> -> memref<16x128xf32, #tpu.memory_space<vmem_shared>>
        %dma_start3A_257 = arith.constant 0 : i32
        %dma_start3A_258 = arith.constant 0 : i32
        %dma_start3A_259 = tpu.memref_slice %dma_start3A_256[%dma_start3A_257, %dma_start3A_258] : memref<16x128xf32, #tpu.memory_space<vmem_shared>> -> memref<16x128xf32, #tpu.memory_space<vmem_shared>>
        tpu.enqueue_indirect_dma source(%dma_start3A_259 : memref<16x128xf32, #tpu.memory_space<vmem_shared>>) target(%arg8 : memref<128x128xf32, #tpu.memory_space<vmem>>) offsets(%dma_start3A_252 : memref<128xi32, #tpu.memory_space<vmem>>) semaphore(%arg14 : memref<!tpu.dma_semaphore, #tpu.memory_space<semaphore_mem>>)
      } else {
      }
      %add3A_226 = arith.constant 3 : i32
      %add3A_227 = arith.addi %mul3A_101, %add3A_226 : i32
      %add3A_228 = arith.constant 5 : i32
      %add3A_229 = arith.addi %add3A_227, %add3A_228 : i32
      %lt3A_230 = arith.constant 200 : i32
      %lt3A_231 = arith.cmpi slt, %add3A_229, %lt3A_230 : i32
      %convert_element_type3A_232 = arith.extui %lt3A_231 : i1 to i32
      %cond3A_233 = arith.constant 0 : i32
      %cond3A_234 = arith.cmpi ne, %convert_element_type3A_232, %cond3A_233 : i32
      scf.if %cond3A_234 {
        %dma_wait3A_244 = arith.constant 0 : i32
        %dma_wait3A_245 = arith.constant 0 : i32
        %dma_wait3A_246 = tpu.memref_slice %arg4[%dma_wait3A_244, %dma_wait3A_245] : memref<819200x128xf32, #tpu.memory_space<hbm>> -> memref<128x128xf32, #tpu.memory_space<hbm>>
        %dma_wait3A_247 = arith.constant 0 : i32
        %dma_wait3A_248 = arith.constant 0 : i32
        %dma_wait3A_249 = tpu.memref_slice %arg4[%dma_wait3A_247, %dma_wait3A_248] : memref<819200x128xf32, #tpu.memory_space<hbm>> -> memref<128x128xf32, #tpu.memory_space<hbm>>
        tpu.wait_dma2 semaphore(%arg20 : memref<!tpu.dma_semaphore, #tpu.memory_space<semaphore_mem>>) src(%arg9 : memref<128x128xf32, #tpu.memory_space<vmem>>) dst(%dma_wait3A_249 : memref<128x128xf32, #tpu.memory_space<hbm>>)
        %dma_start3A_250 = arith.constant 0 : i32
        %dma_start3A_251 = tpu.memref_slice %arg5[%add3A_229, %dma_start3A_250] : memref<200x128xi32, #tpu.memory_space<vmem>> -> memref<1x128xi32, #tpu.memory_space<vmem>>
        %dma_start3A_252 = tpu.memref_squeeze %dma_start3A_251 : memref<1x128xi32, #tpu.memory_space<vmem>> -> memref<128xi32, #tpu.memory_space<vmem>>
        %dma_start3A_253 = arith.constant 0 : i32
        %dma_start3A_254 = arith.constant 0 : i32
        %dma_start3A_255 = tpu.memref_slice %arg11[%arg1, %dma_start3A_253, %dma_start3A_254] : memref<16x16x128xf32, #tpu.memory_space<vmem_shared>> -> memref<1x16x128xf32, #tpu.memory_space<vmem_shared>>
        %dma_start3A_256 = tpu.memref_squeeze %dma_start3A_255 : memref<1x16x128xf32, #tpu.memory_space<vmem_shared>> -> memref<16x128xf32, #tpu.memory_space<vmem_shared>>
        %dma_start3A_257 = arith.constant 0 : i32
        %dma_start3A_258 = arith.constant 0 : i32
        %dma_start3A_259 = tpu.memref_slice %dma_start3A_256[%dma_start3A_257, %dma_start3A_258] : memref<16x128xf32, #tpu.memory_space<vmem_shared>> -> memref<16x128xf32, #tpu.memory_space<vmem_shared>>
        tpu.enqueue_indirect_dma source(%dma_start3A_259 : memref<16x128xf32, #tpu.memory_space<vmem_shared>>) target(%arg9 : memref<128x128xf32, #tpu.memory_space<vmem>>) offsets(%dma_start3A_252 : memref<128xi32, #tpu.memory_space<vmem>>) semaphore(%arg15 : memref<!tpu.dma_semaphore, #tpu.memory_space<semaphore_mem>>)
      } else {
      }
      %add3A_235 = arith.constant 4 : i32
      %add3A_236 = arith.addi %mul3A_101, %add3A_235 : i32
      %add3A_237 = arith.constant 5 : i32
      %add3A_238 = arith.addi %add3A_236, %add3A_237 : i32
      %lt3A_239 = arith.constant 200 : i32
      %lt3A_240 = arith.cmpi slt, %add3A_238, %lt3A_239 : i32
      %convert_element_type3A_241 = arith.extui %lt3A_240 : i1 to i32
      %cond3A_242 = arith.constant 0 : i32
      %cond3A_243 = arith.cmpi ne, %convert_element_type3A_241, %cond3A_242 : i32
      scf.if %cond3A_243 {
        %dma_wait3A_244 = arith.constant 0 : i32
        %dma_wait3A_245 = arith.constant 0 : i32
        %dma_wait3A_246 = tpu.memref_slice %arg4[%dma_wait3A_244, %dma_wait3A_245] : memref<819200x128xf32, #tpu.memory_space<hbm>> -> memref<128x128xf32, #tpu.memory_space<hbm>>
        %dma_wait3A_247 = arith.constant 0 : i32
        %dma_wait3A_248 = arith.constant 0 : i32
        %dma_wait3A_249 = tpu.memref_slice %arg4[%dma_wait3A_247, %dma_wait3A_248] : memref<819200x128xf32, #tpu.memory_space<hbm>> -> memref<128x128xf32, #tpu.memory_space<hbm>>
        tpu.wait_dma2 semaphore(%arg21 : memref<!tpu.dma_semaphore, #tpu.memory_space<semaphore_mem>>) src(%arg10 : memref<128x128xf32, #tpu.memory_space<vmem>>) dst(%dma_wait3A_249 : memref<128x128xf32, #tpu.memory_space<hbm>>)
        %dma_start3A_250 = arith.constant 0 : i32
        %dma_start3A_251 = tpu.memref_slice %arg5[%add3A_238, %dma_start3A_250] : memref<200x128xi32, #tpu.memory_space<vmem>> -> memref<1x128xi32, #tpu.memory_space<vmem>>
        %dma_start3A_252 = tpu.memref_squeeze %dma_start3A_251 : memref<1x128xi32, #tpu.memory_space<vmem>> -> memref<128xi32, #tpu.memory_space<vmem>>
        %dma_start3A_253 = arith.constant 0 : i32
        %dma_start3A_254 = arith.constant 0 : i32
        %dma_start3A_255 = tpu.memref_slice %arg11[%arg1, %dma_start3A_253, %dma_start3A_254] : memref<16x16x128xf32, #tpu.memory_space<vmem_shared>> -> memref<1x16x128xf32, #tpu.memory_space<vmem_shared>>
        %dma_start3A_256 = tpu.memref_squeeze %dma_start3A_255 : memref<1x16x128xf32, #tpu.memory_space<vmem_shared>> -> memref<16x128xf32, #tpu.memory_space<vmem_shared>>
        %dma_start3A_257 = arith.constant 0 : i32
        %dma_start3A_258 = arith.constant 0 : i32
        %dma_start3A_259 = tpu.memref_slice %dma_start3A_256[%dma_start3A_257, %dma_start3A_258] : memref<16x128xf32, #tpu.memory_space<vmem_shared>> -> memref<16x128xf32, #tpu.memory_space<vmem_shared>>
        tpu.enqueue_indirect_dma source(%dma_start3A_259 : memref<16x128xf32, #tpu.memory_space<vmem_shared>>) target(%arg10 : memref<128x128xf32, #tpu.memory_space<vmem>>) offsets(%dma_start3A_252 : memref<128xi32, #tpu.memory_space<vmem>>) semaphore(%arg16 : memref<!tpu.dma_semaphore, #tpu.memory_space<semaphore_mem>>)
      } else {
      }
    }
    %scan3A_68 = arith.constant 40 : i32
    %dma_wait3A_69 = arith.constant 0 : i32
    %dma_wait3A_70 = arith.constant 0 : i32
    %dma_wait3A_71 = tpu.memref_slice %arg4[%dma_wait3A_69, %dma_wait3A_70] : memref<819200x128xf32, #tpu.memory_space<hbm>> -> memref<128x128xf32, #tpu.memory_space<hbm>>
    %dma_wait3A_72 = arith.constant 0 : i32
    %dma_wait3A_73 = arith.constant 0 : i32
    %dma_wait3A_74 = tpu.memref_slice %arg4[%dma_wait3A_72, %dma_wait3A_73] : memref<819200x128xf32, #tpu.memory_space<hbm>> -> memref<128x128xf32, #tpu.memory_space<hbm>>
    tpu.wait_dma2 semaphore(%arg17 : memref<!tpu.dma_semaphore, #tpu.memory_space<semaphore_mem>>) src(%arg6 : memref<128x128xf32, #tpu.memory_space<vmem>>) dst(%dma_wait3A_74 : memref<128x128xf32, #tpu.memory_space<hbm>>)
    %dma_wait3A_75 = arith.constant 0 : i32
    %dma_wait3A_76 = arith.constant 0 : i32
    %dma_wait3A_77 = tpu.memref_slice %arg4[%dma_wait3A_75, %dma_wait3A_76] : memref<819200x128xf32, #tpu.memory_space<hbm>> -> memref<128x128xf32, #tpu.memory_space<hbm>>
    %dma_wait3A_78 = arith.constant 0 : i32
    %dma_wait3A_79 = arith.constant 0 : i32
    %dma_wait3A_80 = tpu.memref_slice %arg4[%dma_wait3A_78, %dma_wait3A_79] : memref<819200x128xf32, #tpu.memory_space<hbm>> -> memref<128x128xf32, #tpu.memory_space<hbm>>
    tpu.wait_dma2 semaphore(%arg18 : memref<!tpu.dma_semaphore, #tpu.memory_space<semaphore_mem>>) src(%arg7 : memref<128x128xf32, #tpu.memory_space<vmem>>) dst(%dma_wait3A_80 : memref<128x128xf32, #tpu.memory_space<hbm>>)
    %dma_wait3A_81 = arith.constant 0 : i32
    %dma_wait3A_82 = arith.constant 0 : i32
    %dma_wait3A_83 = tpu.memref_slice %arg4[%dma_wait3A_81, %dma_wait3A_82] : memref<819200x128xf32, #tpu.memory_space<hbm>> -> memref<128x128xf32, #tpu.memory_space<hbm>>
    %dma_wait3A_84 = arith.constant 0 : i32
    %dma_wait3A_85 = arith.constant 0 : i32
    %dma_wait3A_86 = tpu.memref_slice %arg4[%dma_wait3A_84, %dma_wait3A_85] : memref<819200x128xf32, #tpu.memory_space<hbm>> -> memref<128x128xf32, #tpu.memory_space<hbm>>
    tpu.wait_dma2 semaphore(%arg19 : memref<!tpu.dma_semaphore, #tpu.memory_space<semaphore_mem>>) src(%arg8 : memref<128x128xf32, #tpu.memory_space<vmem>>) dst(%dma_wait3A_86 : memref<128x128xf32, #tpu.memory_space<hbm>>)
    %dma_wait3A_87 = arith.constant 0 : i32
    %dma_wait3A_88 = arith.constant 0 : i32
    %dma_wait3A_89 = tpu.memref_slice %arg4[%dma_wait3A_87, %dma_wait3A_88] : memref<819200x128xf32, #tpu.memory_space<hbm>> -> memref<128x128xf32, #tpu.memory_space<hbm>>
    %dma_wait3A_90 = arith.constant 0 : i32
    %dma_wait3A_91 = arith.constant 0 : i32
    %dma_wait3A_92 = tpu.memref_slice %arg4[%dma_wait3A_90, %dma_wait3A_91] : memref<819200x128xf32, #tpu.memory_space<hbm>> -> memref<128x128xf32, #tpu.memory_space<hbm>>
    tpu.wait_dma2 semaphore(%arg20 : memref<!tpu.dma_semaphore, #tpu.memory_space<semaphore_mem>>) src(%arg9 : memref<128x128xf32, #tpu.memory_space<vmem>>) dst(%dma_wait3A_92 : memref<128x128xf32, #tpu.memory_space<hbm>>)
    %dma_wait3A_93 = arith.constant 0 : i32
    %dma_wait3A_94 = arith.constant 0 : i32
    %dma_wait3A_95 = tpu.memref_slice %arg4[%dma_wait3A_93, %dma_wait3A_94] : memref<819200x128xf32, #tpu.memory_space<hbm>> -> memref<128x128xf32, #tpu.memory_space<hbm>>
    %dma_wait3A_96 = arith.constant 0 : i32
    %dma_wait3A_97 = arith.constant 0 : i32
    %dma_wait3A_98 = tpu.memref_slice %arg4[%dma_wait3A_96, %dma_wait3A_97] : memref<819200x128xf32, #tpu.memory_space<hbm>> -> memref<128x128xf32, #tpu.memory_space<hbm>>
    tpu.wait_dma2 semaphore(%arg21 : memref<!tpu.dma_semaphore, #tpu.memory_space<semaphore_mem>>) src(%arg10 : memref<128x128xf32, #tpu.memory_space<vmem>>) dst(%dma_wait3A_98 : memref<128x128xf32, #tpu.memory_space<hbm>>)
    return
  }
}

module attributes {stable_mosaic.version = 14 : i64} {
  func.func @_fused_table_body(%arg0: memref<16x16xf32, #tpu.memory_space<vmem>>, %arg1: memref<10x128xf32, #tpu.memory_space<vmem>>, %arg2: memref<16x128xf32, #tpu.memory_space<vmem>>, %arg3: memref<128x128xf32, #tpu.memory_space<vmem>>, %arg4: memref<1x128xf32, #tpu.memory_space<vmem>>, %arg5: memref<16x128xf32, #tpu.memory_space<vmem>>) attributes {dimension_semantics = [], scalar_prefetch = 0 : i64, scratch_operands = 0 : i64, tpu.core_type = #tpu.core_type<tc>} {
    %get3A = arith.constant 0 : index
    %get3A_0 = arith.constant 0 : index
    %get3A_1 = vector.load %arg0[%get3A, %get3A_0] : memref<16x16xf32, #tpu.memory_space<vmem>>, vector<16x16xf32>
    %get3A_2 = arith.constant 0 : index
    %get3A_3 = arith.constant 0 : index
    %get3A_4 = vector.load %arg2[%get3A_2, %get3A_3] : memref<16x128xf32, #tpu.memory_space<vmem>>, vector<16x128xf32>
    %dot_general3A = arith.constant dense<0.000000e+00> : vector<16x128xf32>
    %dot_general3A_5 = tpu.matmul %get3A_1, %get3A_4, %dot_general3A {dimension_numbers = #tpu.dot_dimension_numbers<[1], [0], [0], [1], [0, 0, 1, 1], [], []>, transpose_lhs_hint = false} : vector<16x16xf32>, vector<16x128xf32>, vector<16x128xf32> -> vector<16x128xf32>
    %get3A_6 = arith.constant 0 : index
    %get3A_7 = arith.constant 0 : index
    %get3A_8 = vector.load %arg1[%get3A_6, %get3A_7] : memref<10x128xf32, #tpu.memory_space<vmem>>, vector<10x128xf32>
    %jit3A = arith.constant 0 : i32
    %convert_element_type3A = arith.sitofp %jit3A : i32 to f32
    %pad3A = vector.broadcast %convert_element_type3A : f32 to vector<6x128xf32>
    %pad3A_9 = tpu.concatenate %get3A_8, %pad3A in 0 : vector<10x128xf32>, vector<6x128xf32> -> vector<16x128xf32>
    %add3A = arith.addf %pad3A_9, %dot_general3A_5 : vector<16x128xf32>
    %get3A_10 = arith.constant 0 : index
    %get3A_11 = arith.constant 0 : index
    %get3A_12 = vector.load %arg3[%get3A_10, %get3A_11] : memref<128x128xf32, #tpu.memory_space<vmem>>, vector<128x128xf32>
    %dot_general3A_13 = arith.constant dense<0.000000e+00> : vector<16x128xf32>
    %dot_general3A_14 = tpu.matmul %add3A, %get3A_12, %dot_general3A_13 {dimension_numbers = #tpu.dot_dimension_numbers<[1], [0], [0], [1], [0, 0, 1, 1], [], []>, transpose_lhs_hint = false} : vector<16x128xf32>, vector<128x128xf32>, vector<16x128xf32> -> vector<16x128xf32>
    %get3A_15 = arith.constant 0 : index
    %get3A_16 = arith.constant 0 : index
    %get3A_17 = vector.load %arg4[%get3A_15, %get3A_16] : memref<1x128xf32, #tpu.memory_space<vmem>>, vector<1x128xf32>
    %add3A_18 = vector.broadcast %get3A_17 : vector<1x128xf32> to vector<16x128xf32>
    %add3A_19 = arith.addf %dot_general3A_14, %add3A_18 : vector<16x128xf32>
    %logistic3A = arith.negf %add3A_19 : vector<16x128xf32>
    %logistic3A_20 = math.exp %logistic3A : vector<16x128xf32>
    %logistic3A_21 = arith.constant 1.000000e+00 : f32
    %logistic3A_22 = vector.broadcast %logistic3A_21 : f32 to vector<16x128xf32>
    %logistic3A_23 = arith.addf %logistic3A_22, %logistic3A_20 : vector<16x128xf32>
    %logistic3A_24 = arith.divf %logistic3A_22, %logistic3A_23 : vector<16x128xf32>
    %mul3A = arith.mulf %add3A_19, %logistic3A_24 : vector<16x128xf32>
    %swap3A = arith.constant 0 : index
    %swap3A_25 = arith.constant 0 : index
    %swap3A_26 = vector.load %arg5[%swap3A, %swap3A_25] : memref<16x128xf32, #tpu.memory_space<vmem>>, vector<16x128xf32>
    tpu.vector_store %arg5[%swap3A, %swap3A_25], %mul3A {strides = array<i32>} : memref<16x128xf32, #tpu.memory_space<vmem>>, vector<16x128xf32>,
    return
  }
}

</mosaic_0001>

<sc_bundles>
// kernel: kernel.4.cloned.1.call-start
scs
__scs_entry_jumppad:
0x0: {  	(pc) =	sbr.rel $0x88, $3  }
0x1: {  	(tag) =	ssettag $0x0;
	lr =	simm.s32 $0x1  }
0x2: {  	[smem:$0x3F9C] =	sst lr;
	_ =	strace $0xD0000000  }
0x3: {  	_ = 	snop  }
0x4: {  	_ = 	snop  }
0x5: {  	_ = 	snop  }
0x6: {  	_ = 	snop  }
0x7: {  	_ = 	snop  }
__scs_overlays_trampoline_lowered:
0x8: {  	[smem:$0x3FAB] =	sst s0  }
0x9: {  	[smem:$0x3FAC] =	sst s1  }
0xa: {  	[smem:$0x3FAD] =	sst s2  }
0xb: {  	[smem:$0x3FAE] =	sst s3  }
0xc: {  	[smem:$0x3FAF] =	sst s4  }
0xd: {  	[smem:$0x3FB0] =	sst s5  }
0xe: {  	[smem:$0x3FB1] =	sst s6  }
0xf: {  	[smem:$0x3FB2] =	sst s7  }
0x10: {  	[smem:$0x3FB3] =	sst s8  }
0x11: {  	[smem:$0x3FB4] =	sst s9;
	s0 =	simm.s32 @!p0 $0x0  }
0x12: {  	s1 =	sld [smem:$0x3F9A];
	s0 =	simm.s32 @p0 $0x1  }
0x13: {  	[smem:$0x3FB5] =	sst s0;
	s0 =	simm.s32 @!p1 $0x0  }
0x14: {  	s2 =	sld [smem:$0x3F99];
	s0 =	simm.s32 @p1 $0x1  }
0x15: {  	[smem:$0x3FB6] =	sst s0;
	s0 =	simm.s32 @!p2 $0x0  }
0x16: {  	s3 =	sld [smem:$0x3FDB];
	s0 =	simm.s32 @p2 $0x1  }
0x17: {  	s4 =	simm.s32 $0x1BF5;
	[smem:$0x3FB8] =	sst s0  }
0x18: {  	s0 =	sld [smem:$0x3F9B];
	_ =	swait.ge [sflag:s4], $0x0  }
0x19: {  	s7 =	sld [smem:$0x3F9C]  }
0x1a: {  	s8 =	sadd.s32 $0xFFFFE003, lr  }
0x1b: {  	s9 =	sadd.s32 $0xFFFFFEF7, lr;
	s5 =	simm.s32 $0xFFFFFFFF;
	p2 =	slt.u32 s8, $0xFFFFF086  }
0x1c: {  	p1 =	slt.u32 s9, $0xF7A;
	s5 =	simm.s32 @!p2 $0x0  }
0x1d: {  	s5 =	simm.s32 @p1 $0x1;
	p0 =	seq.s32 s7, s2  }
0x1e: {  	s7 =	smul.u32 @!p0 $0xF7A, s2;
	p2 =	seq.s32 @!p0 s5, $0x0  }
0x1f: {  	s9 =	smul.u32 $0xF7A, s1;
	s8 =	simm.s32 @!p0 $0x1BF5;
	p2 =	por !p2, p0  }
0x20: {  	[sflag:s8] =	ssyncset.s32 @!p0 $0xFFFFF086;
	s6 =	sadd.s32 @!p0 s3, s7;
	s7 =	simm.s32 @!p0 $0x108  }
0x21: {  	s3 =	sadd.s32 s3, s9;
	s6 =	sadd.s32 @!p0 $0x88, s6;
	s7 =	simm.s32 @p2 $0x1082  }
0x22: {  	[simem:s7], [sflag:s8] =	dma.local @!p0 [hbm:s6], $0xF7A  }
0x23: {  	s9 =	sor.u32 $0xD0000000, s2;
	s6 =	simm.s32 $0x108;
	_ =	swait.ge @!p0 [sflag:s8], $0x0  }
0x24: {  	s3 =	sadd.s32 $0x88, s3;
	s6 =	simm.s32 @!p1 $0x1082;
	[sflag:s4] =	ssyncset.s32 $0xFFFFF086  }
0x25: {  	[simem:s6], [sflag:s4] =	dma.local [hbm:s3], $0xF7A  }
0x26: {  	[smem:$0x3F9C] =	sst s1;
	(tag) =	ssettag s2;
	_ =	strace s9  }
0x27: {  	s1 =	sld [smem:$0x3FAC]  }
0x28: {  	s2 =	sld [smem:$0x3FAD]  }
0x29: {  	s4 =	sld [smem:$0x3FAF]  }
0x2a: {  	p0 =	seq.s32 s5, $0x0;
	s5 =	sld [smem:$0x3FB0]  }
0x2b: {  	s6 =	sld [smem:$0x3FB1]  }
0x2c: {  	s7 =	sld [smem:$0x3FB2]  }
0x2d: {  	s3 =	simm.s32 $0x108;
	s8 =	sld [smem:$0x3FB3]  }
0x2e: {  	s3 =	simm.s32 @!p0 $0x1082;
	s9 =	sld [smem:$0x3FB4]  }
0x2f: {  	lr =	sadd.s32 s0, s3;
	s0 =	sld [smem:$0x3FAB]  }
0x30: {  	s3 =	sld [smem:$0x3FAE]  }
0x31: {  	[smem:$0x3FB7] =	sst s10  }
0x32: {  	s10 =	sld [smem:$0x3FB5];
	_ =	sdelay $0x3  }
0x33: {  	p0 =	seq.s32 s10, $0x1;
	s10 =	sld [smem:$0x3FB7];
	_ =	sdelay $0x3  }
0x34: {  	[smem:$0x3FB7] =	sst s10  }
0x35: {  	s10 =	sld [smem:$0x3FB6];
	_ =	sdelay $0x3  }
0x36: {  	p1 =	seq.s32 s10, $0x1;
	s10 =	sld [smem:$0x3FB7];
	_ =	sdelay $0x3  }
0x37: {  	[smem:$0x3FB7] =	sst s10  }
0x38: {  	s10 =	sld [smem:$0x3FB8]  }
0x39: {  	_ = 	snop;
	(pc) =	sbr.ind lr, $3  }
0x3a: {  	_ = 	snop  }
0x3b: {  	_ = 	snop  }
0x3c: {  	p2 =	seq.s32 s10, $0x1;
	s10 =	sld [smem:$0x3FB7]  }
0x3d: {  	_ =	shalt  }
0x3e: {  	_ =	shalt  }
0x3f: {  	_ =	shalt  }
0x40: {  	_ =	shalt  }
0x41: {  	_ =	shalt  }
0x42: {  	_ =	shalt  }
0x43: {  	_ =	shalt  }
0x44: {  	_ =	shalt  }
0x45: {  	_ =	shalt  }
0x46: {  	_ =	shalt  }
0x47: {  	_ =	shalt  }
0x48: {  	_ =	shalt  }
0x49: {  	_ =	shalt  }
0x4a: {  	_ =	shalt  }
0x4b: {  	_ =	shalt  }
0x4c: {  	_ =	shalt  }
0x4d: {  	_ =	shalt  }
0x4e: {  	_ =	shalt  }
0x4f: {  	_ =	shalt  }
0x50: {  	_ =	shalt  }
0x51: {  	_ =	shalt  }
0x52: {  	_ =	shalt  }
0x53: {  	_ =	shalt  }
0x54: {  	_ =	shalt  }
0x55: {  	_ =	shalt  }
0x56: {  	_ =	shalt  }
0x57: {  	_ =	shalt  }
0x58: {  	_ =	shalt  }
0x59: {  	_ =	shalt  }
0x5a: {  	_ =	shalt  }
0x5b: {  	_ =	shalt  }
0x5c: {  	_ =	shalt  }
0x5d: {  	_ =	shalt  }
0x5e: {  	_ =	shalt  }
0x5f: {  	_ =	shalt  }
0x60: {  	_ =	shalt  }
0x61: {  	_ =	shalt  }
0x62: {  	_ =	shalt  }
0x63: {  	_ =	shalt  }
0x64: {  	_ =	shalt  }
0x65: {  	_ =	shalt  }
0x66: {  	_ =	shalt  }
0x67: {  	_ =	shalt  }
0x68: {  	_ =	shalt  }
0x69: {  	_ =	shalt  }
0x6a: {  	_ =	shalt  }
0x6b: {  	_ =	shalt  }
0x6c: {  	_ =	shalt  }
0x6d: {  	_ =	shalt  }
0x6e: {  	_ =	shalt  }
0x6f: {  	_ =	shalt  }
0x70: {  	_ =	shalt  }
0x71: {  	_ =	shalt  }
0x72: {  	_ =	shalt  }
0x73: {  	_ =	shalt  }
0x74: {  	_ =	shalt  }
0x75: {  	_ =	shalt  }
0x76: {  	_ =	shalt  }
0x77: {  	_ =	shalt  }
0x78: {  	_ =	shalt  }
0x79: {  	_ =	shalt  }
0x7a: {  	_ =	shalt  }
0x7b: {  	_ =	shalt  }
0x7c: {  	_ =	shalt  }
0x7d: {  	_ =	shalt  }
0x7e: {  	_ =	shalt  }
0x7f: {  	_ =	shalt  }
0x80: {  	_ =	shalt  }
0x81: {  	_ =	shalt  }
0x82: {  	_ =	shalt  }
0x83: {  	_ =	shalt  }
0x84: {  	_ =	shalt  }
0x85: {  	_ =	shalt  }
0x86: {  	_ =	shalt  }
0x87: {  	_ =	shalt  }
.Lfunc_end0:
.L_simem_size_0:
called_computation_lowered:
.L_overlay_start_0:
0x88: {  	s2 =	sld [smem:$0x3FD9]  }
0x89: {  	s3 =	sld [smem:$0x3FFE];
	_ =	sdelay $0x1  }
0x8a: {  	s1 =	srdreg.scid  }
0x8b: {  	s0 =	sand.u32 $0x1, s1  }
0x8c: {  	s17 =	sshll.u32 s0, $0xA;
	s2 =	sadd.s32 s3, s2  }
0x8d: {  	s2 =	sadd.s32 s2, s17  }
0x8e: {  	[smem:$0x3FC3] =	sst s2  }
0x8f: {  	_ = 	snop  }
0x90: {  	s2 =	sld [smem:$0x3FD0];
	(tm) =	ssettm $0x1  }
0x91: {  	s18 =	sld [smem:$0x3FFB];
	_ =	sdelay $0x3  }
0x92: {  	_ =	strace s18  }
0x93: {  	s3 =	sld [smem:$0x3FFC];
	_ =	sdelay $0x3  }
0x94: {  	_ =	strace s3  }
0x95: {  	s3 =	sld [smem:$0x3FFD];
	_ =	sdelay $0x3  }
0x96: {  	_ =	strace s3  }
0x97: {  	_ =	strace $0x8FFFFFFF  }
0x98: {  	s19 =	sld [smem:$0x3FDB];
	_ =	sdelay $0x1  }
0x99: {  	s4 =	simm.s32 $_scs_section_size  }
0x9a: {  	s5 =	simm.s32 $_size__tile_overlayer_lowered;
	s6 =	simm.s32 $_tile_overlayer_lowered  }
0x9b: {  	s22 =	simm.s32 $0x1BFF;
	s21 =	sshll.u32 s6, $0x1;
	s3 =	sadd.s32 s4, s19  }
0x9c: {  	s7 =	simm.s32 $0x0;
	s20 =	sshll.u32 s5, $0x1;
	s5 =	sadd.s32 s21, s3  }
0x9d: {  	[timem:s7], [sflag:s22] =	dma.local [hbm:s5], s20  }
0x9e: {  	_ =	swait.ge [sflag:s22], s20  }
0x9f: {  	s4 =	ssub.s32 $0x0, s20;
	[sflag:s22] =	ssyncset.done $0x0  }
0xa0: {  	[sflag:s22] =	ssyncadd.s32 s4;
	_ =	sdelay $0x1  }
0xa1: {  	s23 =	simm.s32 $0x1B8B  }
0xa2: {  	_ =	swait.ge [sflag:s23], $0x1  }
0xa3: {  	[sflag:s23] =	ssyncset.done $0x0  }
0xa4: {  	s25 =	simm.s32 $0x1B8E;
	s24 =	sld [smem:$0x3FFE];
	[sflag:s23] =	ssyncadd.s32 $0xFFFFFFFF  }
0xa5: {  	s26 =	simm.s32 $execute0_lowered;
	[smem:$0x3FD2] =	sst s25  }
0xa6: {  	s5 =	sshll.u32 s26, $0x1;
	_ =	strace $0x80000046;
	[dreg:$0x1] =	wrdreg $0xFFFFFFFF  }
0xa7: {  	s28 =	simm.s32 $_size_execute0_lowered;
	s3 =	sadd.s32 s3, s5;
	[dreg:$0x0] =	wrdreg $0x0  }
0xa8: {  	s5 =	sshll.u32 s28, $0x1;
	[dreg:$0x2] =	wrdreg s3  }
0xa9: {  	[dreg:$0x3] =	wrdreg s5  }
0xaa: {  	[dreg:$0x4] =	wrdreg $0xC0  }
0xab: {  	_ =	task [dreg:s7], $0x5FFFF  }
0xac: {  	[dreg:$0x1] =	wrdreg $0xFFFFFFFF  }
0xad: {  	[dreg:$0x0] =	wrdreg $0x60  }
0xae: {  	[dreg:$0x2] =	wrdreg s24  }
0xaf: {  	[dreg:$0x3] =	wrdreg s2  }
0xb0: {  	[dreg:$0x4] =	wrdreg $0x1A4000  }
0xb1: {  	[dreg:$0x5] =	wrdreg $0x9  }
0xb2: {  	_ =	task.clear_ibuf [dreg:s7], $0x6FFFF;
	_ =	strace $0x90000046  }
0xb3: {  	s29 =	simm.s32 $0x9;
	_ =	strace $0x80000048  }
0xb4: {  	_ =	swait.ge [sflag:s29], $0x1  }
0xb5: {  	[sflag:s29] =	ssyncadd.s32 $0xFFFFFFFF  }
0xb6: {  	_ =	strace $0x90000048  }
0xb7: {  	_ =	sfence  }
0xb8: {  	s30 =	sld [smem:$0x0];
	_ =	sdelay $0x2  }
0xb9: {  	s31 =	sshll.u32 s1, $0xD;
	s1 =	sshrl.u32 s1, $0x2  }
0xba: {  	s3 =	sand.u32 $0x4000, s31;
	s1 =	sadd.s32 s1, s30  }
0xbb: {  	s0 =	sor.u32 s3, s0;
	s1 =	sshll.u32 s1, $0x11  }
0xbc: {  	s0 =	sor.u32 s1, s0  }
0xbd: {  	s0 =	sadd.s32 $0x8F2B, s0  }
0xbe: {  	[sflag:s0] =	ssyncadd.remote.s32 $0x1  }
0xbf: {  	_ =	sfence.sel $0xFFFF  }
0xc0: {  	[dreg:$0x0] =	wrdreg $0xFFFFFFFF;
	(pc) =	sbr.abs _section_cstart, $3  }
0xc1: {  	[dreg:$0x1] =	wrdreg $0xFFFFFFFF  }
0xc2: {  	_ =	task.clear_ibuf [dreg:s7], $0x2FFFF;
	_ =	strace $0x9FFFFFFF  }
0xc3: {  	(tm) =	ssettm $0x7FFFFFFF  }
tec
execute0_lowered:
.L_overlay_start_1:
0x0: {  	(tag) =	ssettag $0x1  }
0x1: {  	s0 =	rddreg [dreg:$0x0]  }
0x2: {  	s1 =	rddreg [dreg:$0x1]  }
0x3: {  	s2 =	srdreg.scid;
	s10 =	stileid.u32  }
0x4: {  	s3 =	rddreg [dreg:$0x2];
	s13 =	simm.s32 $0x6400;
	s14 =	simm.s32 $0xC  }
0x5: {  	s15 =	simm.s32 $0xB;
	s16 =	simm.s32 $0x80;
	s17 =	simm.s32 $0xA400  }
0x6: {  	s19 =	simm.s32 $0xE400;
	s21 =	simm.s32 $0x12400;
	s28 =	simm.s32 $0x4  }
0x7: {  	s29 =	simm.s32 $0x5;
	s30 =	simm.s32 $0x6;
	s31 =	simm.s32 $0x7  }
0x8: {  	s18 =	simm.s32 $0xA;
	s20 =	simm.s32 $0x0;
	s4 =	sand.u32 $0x1, s2  }
0x9: {  	s5 =	sshll.u32 s10, $0x1;
	s2 =	simm.s32 $0x0;
	s25 =	smul.u32 $0xC8000, s10  }
0xa: {  	s5 =	sor.u32 s4, s5;
	s22 =	ssub.s32 $0x2, s4;
	s4 =	smul.u32 $0x64000, s4  }
0xb: {  	s8 =	sshll.u32 s10, $0xB;
	[smem:$0x7FF] =	sst s2;
	s6 =	smul.u32 $0xC80, s5  }
0xc: {  	_ =	strace $0x80000047;
	s7 =	sshrl.u32 s22, $0x1;
	s9 =	smul.u32 $0x64000, s5  }
0xd: {  	s5 =	sadd.s32 s8, s3;
	s6 =	sadd.s32 s6, s0;
	s0 =	sadd.s32 $0x1A000, s0  }
0xe: {  	s24 =	sadd.s32 s1, s9;
	s1 =	sadd.s32 s25, s1;
	s25 =	simm.s32 $0x2  }
0xf: {  	[dreg:$0x4] =	wrdreg s0;
	s0 =	ssub.s32 s22, s7;
	s23 =	sadd.s32 $0x1000, s6  }
0x10: {  	s26 =	sadd.s32 $0x61800, s24;
	s8 =	sadd.s32 $0x62000, s24;
	s9 =	sadd.s32 $0x62800, s24  }
0x11: {  	s10 =	sadd.s32 $0x63000, s24;
	s11 =	sadd.s32 $0x63800, s24;
	s12 =	sadd.s32 s4, s1  }
0x12: {  	s24 =	simm.s32 $0x1;
	s1 =	simm.s32 $0x8;
	[dreg:$0x5] =	wrdreg s23  }
0x13: {  	s0 =	smax.u32 s0, $0x1;
	[dreg:$0x7] =	wrdreg s26;
	s23 =	simm.s32 $0x16400  }
0x14: {  	s26 =	simm.s32 $0x3;
	[dreg:$0x6] =	wrdreg s0;
	s0 =	simm.s32 $0x9  }
.LBB2_1:
0x15: {  	s3 =	rddreg [dreg:$0x5]  }
0x16: {  	[tilespmem:s2], [sflag:$0xB] =	stream.linear.gather [hbm4b:s3+s2], $0x6400, $0x38;
	[tilespmem:$0x1AC00] =	vst v63  }
0x17: {  	s6 =	rddreg [dreg:$0x4]  }
0x18: {  	[tilespmem:s13], [sflag:$0xC] =	stream.linear.gather [hbm4b:s6+s2], $0x800, $0x38;
	[tilespmem:$0x1AC00] =	vst v63  }
0x19: {  	_ =	swait.ge [sflag:s14], $0x800  }
0x1a: {  	[sflag:s14] =	ssyncset.done $0x0  }
0x1b: {  	[sflag:s14] =	ssyncadd.s32 $0xFFFFF800  }
0x1c: {  	[spmem:s5] =	stream.linear.scatter [tilespmem:s13], [sflag:$0xC], $0x800, $0x38;
	[tilespmem:$0x1AC00] =	vst v63  }
0x1d: {  	_ =	swait.ge [sflag:s14], $0x800  }
0x1e: {  	[sflag:s14] =	ssyncset.done $0x0  }
0x1f: {  	[sflag:s14] =	ssyncadd.s32 $0xFFFFF800  }
0x20: {  	_ =	swait.ge [sflag:s15], $0x6400  }
0x21: {  	[sflag:s15] =	ssyncset.done $0x0  }
0x22: {  	[sflag:s15] =	ssyncadd.s32 $0xFFFF9C00  }
0x23: {  	[tilespmem:s13], [sflag:$0x1] =	stream.indirect.gather [spmem:s5], $0x80, s2, s16, $0xb8;
	[tilespmem:$0x1AC00] =	vst v63  }
0x24: {  	_ = 	snop  }
0x25: {  	[tilespmem:s17], [sflag:$0x2] =	stream.indirect.gather [spmem:s5], $0x80, s16, s16, $0xb8;
	[tilespmem:$0x1AC00] =	vst v63  }
0x26: {  	s7 =	simm.s32 $0x100  }
0x27: {  	[tilespmem:s19], [sflag:$0x3] =	stream.indirect.gather [spmem:s5], $0x80, s7, s16, $0xb8;
	[tilespmem:$0x1AC00] =	vst v63  }
0x28: {  	s22 =	simm.s32 $0x180  }
0x29: {  	[tilespmem:s21], [sflag:$0x4] =	stream.indirect.gather [spmem:s5], $0x80, s22, s16, $0xb8;
	[tilespmem:$0x1AC00] =	vst v63  }
0x2a: {  	s4 =	simm.s32 $0x200  }
0x2b: {  	[tilespmem:s23], [sflag:$0x5] =	stream.indirect.gather [spmem:s5], $0x80, s4, s16, $0xb8;
	[tilespmem:$0x1AC00] =	vst v63  }
0x2c: {  	_ =	swait.ge [sflag:s24], $0x4000  }
0x2d: {  	[sflag:s24] =	ssyncset.done $0x0  }
0x2e: {  	s6 =	sadd.s32 $0x0, s12;
	[sflag:s24] =	ssyncadd.s32 $0xFFFFC000  }
0x2f: {  	[hbm4b:s6+s2] =	stream.linear.scatter [tilespmem:s13], [sflag:$0x6], $0x4000, $0x38;
	[tilespmem:$0x1AC00] =	vst v63  }
0x30: {  	_ =	swait.ge [sflag:s25], $0x4000  }
0x31: {  	[sflag:s25] =	ssyncset.done $0x0  }
0x32: {  	s4 =	sadd.s32 $0x800, s6;
	[sflag:s25] =	ssyncadd.s32 $0xFFFFC000  }
0x33: {  	[hbm4b:s4+s2] =	stream.linear.scatter [tilespmem:s17], [sflag:$0x7], $0x4000, $0x38;
	[tilespmem:$0x1AC00] =	vst v63  }
0x34: {  	_ =	swait.ge [sflag:s26], $0x4000  }
0x35: {  	[sflag:s26] =	ssyncset.done $0x0  }
0x36: {  	s7 =	sadd.s32 $0x1000, s6;
	[sflag:s26] =	ssyncadd.s32 $0xFFFFC000  }
0x37: {  	[hbm4b:s7+s2] =	stream.linear.scatter [tilespmem:s19], [sflag:$0x8], $0x4000, $0x38;
	[tilespmem:$0x1AC00] =	vst v63  }
0x38: {  	_ =	swait.ge [sflag:s28], $0x4000  }
0x39: {  	[sflag:s28] =	ssyncset.done $0x0  }
0x3a: {  	s22 =	sadd.s32 $0x1800, s6;
	[sflag:s28] =	ssyncadd.s32 $0xFFFFC000  }
0x3b: {  	[hbm4b:s22+s2] =	stream.linear.scatter [tilespmem:s21], [sflag:$0x9], $0x4000, $0x38;
	[tilespmem:$0x1AC00] =	vst v63  }
0x3c: {  	_ =	swait.ge [sflag:s29], $0x4000  }
0x3d: {  	[sflag:s29] =	ssyncset.done $0x0  }
0x3e: {  	s3 =	sadd.s32 $0x2000, s6;
	[sflag:s29] =	ssyncadd.s32 $0xFFFFC000  }
0x3f: {  	[hbm4b:s3+s2] =	stream.linear.scatter [tilespmem:s23], [sflag:$0xA], $0x4000, $0x38;
	[tilespmem:$0x1AC00] =	vst v63  }
0x40: {  	_ =	swait.ge [sflag:s30], $0x4000  }
0x41: {  	[sflag:s30] =	ssyncset.done $0x0  }
0x42: {  	s4 =	simm.s32 $0x280;
	[sflag:s30] =	ssyncadd.s32 $0xFFFFC000  }
0x43: {  	[tilespmem:s13], [sflag:$0x1] =	stream.indirect.gather [spmem:s5], $0x80, s4, s16, $0xb8;
	[tilespmem:$0x1AC00] =	vst v63  }
0x44: {  	_ =	swait.ge [sflag:s31], $0x4000  }
0x45: {  	[sflag:s31] =	ssyncset.done $0x0  }
0x46: {  	s6 =	simm.s32 $0x300;
	[sflag:s31] =	ssyncadd.s32 $0xFFFFC000  }
0x47: {  	[tilespmem:s17], [sflag:$0x2] =	stream.indirect.gather [spmem:s5], $0x80, s6, s16, $0xb8;
	[tilespmem:$0x1AC00] =	vst v63  }
0x48: {  	_ =	swait.ge [sflag:s1], $0x4000  }
0x49: {  	[sflag:s1] =	ssyncset.done $0x0  }
0x4a: {  	s7 =	simm.s32 $0x380;
	[sflag:s1] =	ssyncadd.s32 $0xFFFFC000  }
0x4b: {  	[tilespmem:s19], [sflag:$0x3] =	stream.indirect.gather [spmem:s5], $0x80, s7, s16, $0xb8;
	[tilespmem:$0x1AC00] =	vst v63  }
0x4c: {  	_ =	swait.ge [sflag:s0], $0x4000  }
0x4d: {  	[sflag:s0] =	ssyncset.done $0x0  }
0x4e: {  	s22 =	simm.s32 $0x400;
	[sflag:s0] =	ssyncadd.s32 $0xFFFFC000  }
0x4f: {  	[tilespmem:s21], [sflag:$0x4] =	stream.indirect.gather [spmem:s5], $0x80, s22, s16, $0xb8;
	[tilespmem:$0x1AC00] =	vst v63  }
0x50: {  	_ =	swait.ge [sflag:s18], $0x4000  }
0x51: {  	s3 =	simm.s32 $0x2800;
	[sflag:s18] =	ssyncset.done $0x0  }
0x52: {  	s4 =	simm.s32 $0x700;
	s22 =	simm.s32 $0x480;
	[sflag:s18] =	ssyncadd.s32 $0xFFFFC000  }
.LBB2_2:
0x53: {  	[tilespmem:s23], [sflag:$0x5] =	stream.indirect.gather [spmem:s5], $0x80, s22, s16, $0xb8;
	[tilespmem:$0x1AC00] =	vst v63  }
0x54: {  	s6 =	smov.u32 s3;
	s22 =	smov.u32 s4  }
0x55: {  	p0 =	sne.s32 s3, $0x5F000;
	s3 =	sadd.s32 $0x2800, s3;
	_ =	swait.ge [sflag:s24], $0x4000  }
0x56: {  	[sflag:s24] =	ssyncset.done $0x0  }
0x57: {  	s6 =	sadd.s32 s6, s12;
	[sflag:s24] =	ssyncadd.s32 $0xFFFFC000  }
0x58: {  	[hbm4b:s6+s2] =	stream.linear.scatter [tilespmem:s13], [sflag:$0x6], $0x4000, $0x38;
	[tilespmem:$0x1AC00] =	vst v63  }
0x59: {  	_ =	swait.ge [sflag:s25], $0x4000  }
0x5a: {  	[sflag:s25] =	ssyncset.done $0x0  }
0x5b: {  	s7 =	sadd.s32 $0x800, s6;
	[sflag:s25] =	ssyncadd.s32 $0xFFFFC000  }
0x5c: {  	[hbm4b:s7+s2] =	stream.linear.scatter [tilespmem:s17], [sflag:$0x7], $0x4000, $0x38;
	[tilespmem:$0x1AC00] =	vst v63  }
0x5d: {  	_ =	swait.ge [sflag:s26], $0x4000  }
0x5e: {  	[sflag:s26] =	ssyncset.done $0x0  }
0x5f: {  	s7 =	sadd.s32 $0x1000, s6;
	[sflag:s26] =	ssyncadd.s32 $0xFFFFC000  }
0x60: {  	[hbm4b:s7+s2] =	stream.linear.scatter [tilespmem:s19], [sflag:$0x8], $0x4000, $0x38;
	[tilespmem:$0x1AC00] =	vst v63  }
0x61: {  	_ =	swait.ge [sflag:s28], $0x4000  }
0x62: {  	[sflag:s28] =	ssyncset.done $0x0  }
0x63: {  	s7 =	sadd.s32 $0x1800, s6;
	[sflag:s28] =	ssyncadd.s32 $0xFFFFC000  }
0x64: {  	[hbm4b:s7+s2] =	stream.linear.scatter [tilespmem:s21], [sflag:$0x9], $0x4000, $0x38;
	[tilespmem:$0x1AC00] =	vst v63  }
0x65: {  	_ =	swait.ge [sflag:s29], $0x4000  }
0x66: {  	[sflag:s29] =	ssyncset.done $0x0  }
0x67: {  	s6 =	sadd.s32 $0x2000, s6;
	[sflag:s29] =	ssyncadd.s32 $0xFFFFC000  }
0x68: {  	[hbm4b:s6+s2] =	stream.linear.scatter [tilespmem:s23], [sflag:$0xA], $0x4000, $0x38;
	[tilespmem:$0x1AC00] =	vst v63  }
0x69: {  	_ =	swait.ge [sflag:s30], $0x4000  }
0x6a: {  	[sflag:s30] =	ssyncset.done $0x0  }
0x6b: {  	s6 =	sadd.s32 $0xFFFFFE00, s4;
	[sflag:s30] =	ssyncadd.s32 $0xFFFFC000  }
0x6c: {  	[tilespmem:s13], [sflag:$0x1] =	stream.indirect.gather [spmem:s5], $0x80, s6, s16, $0xb8;
	[tilespmem:$0x1AC00] =	vst v63  }
0x6d: {  	_ =	swait.ge [sflag:s31], $0x4000  }
0x6e: {  	[sflag:s31] =	ssyncset.done $0x0  }
0x6f: {  	s6 =	sadd.s32 $0xFFFFFE80, s4;
	[sflag:s31] =	ssyncadd.s32 $0xFFFFC000  }
0x70: {  	[tilespmem:s17], [sflag:$0x2] =	stream.indirect.gather [spmem:s5], $0x80, s6, s16, $0xb8;
	[tilespmem:$0x1AC00] =	vst v63  }
0x71: {  	_ =	swait.ge [sflag:s1], $0x4000  }
0x72: {  	[sflag:s1] =	ssyncset.done $0x0  }
0x73: {  	s6 =	sadd.s32 $0xFFFFFF00, s4;
	[sflag:s1] =	ssyncadd.s32 $0xFFFFC000  }
0x74: {  	[tilespmem:s19], [sflag:$0x3] =	stream.indirect.gather [spmem:s5], $0x80, s6, s16, $0xb8;
	[tilespmem:$0x1AC00] =	vst v63  }
0x75: {  	_ =	swait.ge [sflag:s0], $0x4000  }
0x76: {  	[sflag:s0] =	ssyncset.done $0x0  }
.Ltmp0:
0x77: {  	s6 =	sadd.s32 $0xFFFFFF80, s4;
	[sflag:s0] =	ssyncadd.s32 $0xFFFFC000;
	(pc) =	sbr.rel @p0 .LBB2_2-.Ltmp0, $4  }
0x78: {  	[tilespmem:s21], [sflag:$0x4] =	stream.indirect.gather [spmem:s5], $0x80, s6, s16, $0xb8;
	[tilespmem:$0x1AC00] =	vst v63  }
0x79: {  	_ =	swait.ge [sflag:s18], $0x4000  }
0x7a: {  	[sflag:s18] =	ssyncset.done $0x0  }
0x7b: {  	s4 =	sadd.s32 $0x280, s4;
	[sflag:s18] =	ssyncadd.s32 $0xFFFFC000  }
0x7c: {  	[tilespmem:s23], [sflag:$0x5] =	stream.indirect.gather [spmem:s5], $0x80, s22, s16, $0xb8;
	[tilespmem:$0x1AC00] =	vst v63  }
0x7d: {  	_ =	swait.ge [sflag:s24], $0x4000  }
0x7e: {  	[sflag:s24] =	ssyncset.done $0x0  }
0x7f: {  	s3 =	rddreg [dreg:$0x7];
	[sflag:s24] =	ssyncadd.s32 $0xFFFFC000  }
0x80: {  	[hbm4b:s3+s2] =	stream.linear.scatter [tilespmem:s13], [sflag:$0x6], $0x4000, $0x38;
	[tilespmem:$0x1AC00] =	vst v63  }
0x81: {  	_ =	swait.ge [sflag:s25], $0x4000  }
0x82: {  	[sflag:s25] =	ssyncset.done $0x0  }
0x83: {  	[sflag:s25] =	ssyncadd.s32 $0xFFFFC000  }
0x84: {  	[hbm4b:s8+s2] =	stream.linear.scatter [tilespmem:s17], [sflag:$0x7], $0x4000, $0x38;
	[tilespmem:$0x1AC00] =	vst v63  }
0x85: {  	_ =	swait.ge [sflag:s26], $0x4000  }
0x86: {  	[sflag:s26] =	ssyncset.done $0x0  }
0x87: {  	[sflag:s26] =	ssyncadd.s32 $0xFFFFC000  }
0x88: {  	[hbm4b:s9+s2] =	stream.linear.scatter [tilespmem:s19], [sflag:$0x8], $0x4000, $0x38;
	[tilespmem:$0x1AC00] =	vst v63  }
0x89: {  	_ =	swait.ge [sflag:s28], $0x4000  }
0x8a: {  	[sflag:s28] =	ssyncset.done $0x0  }
0x8b: {  	[sflag:s28] =	ssyncadd.s32 $0xFFFFC000  }
0x8c: {  	[hbm4b:s10+s2] =	stream.linear.scatter [tilespmem:s21], [sflag:$0x9], $0x4000, $0x38;
	[tilespmem:$0x1AC00] =	vst v63  }
0x8d: {  	_ =	swait.ge [sflag:s29], $0x4000  }
0x8e: {  	[sflag:s29] =	ssyncset.done $0x0  }
0x8f: {  	[sflag:s29] =	ssyncadd.s32 $0xFFFFC000  }
0x90: {  	[hbm4b:s11+s2] =	stream.linear.scatter [tilespmem:s23], [sflag:$0xA], $0x4000, $0x38;
	[tilespmem:$0x1AC00] =	vst v63  }
0x91: {  	_ =	swait.ge [sflag:s30], $0x4000  }
0x92: {  	[sflag:s30] =	ssyncset.done $0x0  }
0x93: {  	[sflag:s30] =	ssyncadd.s32 $0xFFFFC000  }
0x94: {  	_ =	swait.ge [sflag:s31], $0x4000  }
0x95: {  	[sflag:s31] =	ssyncset.done $0x0  }
0x96: {  	[sflag:s31] =	ssyncadd.s32 $0xFFFFC000  }
0x97: {  	_ =	swait.ge [sflag:s1], $0x4000  }
0x98: {  	[sflag:s1] =	ssyncset.done $0x0  }
0x99: {  	[sflag:s1] =	ssyncadd.s32 $0xFFFFC000  }
0x9a: {  	_ =	swait.ge [sflag:s0], $0x4000  }
0x9b: {  	[sflag:s0] =	ssyncset.done $0x0  }
0x9c: {  	[sflag:s0] =	ssyncadd.s32 $0xFFFFC000  }
0x9d: {  	_ =	swait.ge [sflag:s18], $0x4000  }
0x9e: {  	s20 =	sadd.s32 $0x1, s20;
	s22 =	rddreg [dreg:$0x6]  }
0x9f: {  	p0 =	sne.s32 s20, s22  }
.Ltmp1:
0xa0: {  	_ = 	snop;
	(pc) =	sbr.rel @p0 .LBB2_1-.Ltmp1, $3  }
0xa1: {  	_ =	sdelay $0x1  }
0xa2: {  	[sflag:s18] =	ssyncset.done $0x0  }
0xa3: {  	[sflag:s18] =	ssyncadd.s32 $0xFFFFC000  }
0xa4: {  	_ =	sfence.sel $0x180000  }
0xa5: {  	[bflag:$0x0] =	sbarrier.arrive $0xFFFF  }
0xa6: {  	_ =	strace $0x90000047  }
0xa7: {  	s0 =	stileid.u32;
	[bflag:$0x2] =	sbarrier.arrive $0xFFFF  }
0xa8: {  	p0 =	sne.s32 s0, $0x0;
	s0 =	rddreg [dreg:$0x3]  }
0xa9: {  	s0 =	sadd.s32 @!p0 $0x100000, s0  }
0xaa: {  	[sflag:s0] =	ssyncadd.tile.s32 @!p0 $0x1;
	_ =	shalt  }
.Lfunc_end2:
_tile_overlayer_lowered:
.L_overlay_start_2:
0xab: {  	(tag) =	ssettag $0x2  }
0xac: {  	s0 =	rddreg [dreg:$0x0];
	s2 =	stileid.u32  }
0xad: {  	s1 =	rddreg [dreg:$0x1];
	p0 =	sne.s32 s2, $0x0  }
0xae: {  	s3 =	rddreg [dreg:$0x2];
	[bflag:$0x3] =	sbarrier.arrive $0xFFFF;
	s2 =	simm.s32 @!p0 $0x1C0C  }
0xaf: {  	[timem:s3], [sflag:s2] =	dma.local @!p0 [hbm:s0], s1  }
0xb0: {  	s0 =	simm.s32 @!p0 $0xC  }
0xb1: {  	_ =	swait.ge @!p0 [sflag:s0], s1  }
0xb2: {  	s1 =	ssub.s32 @!p0 $0x0, s1;
	[sflag:s0] =	ssyncset.done @!p0 $0x0  }
0xb3: {  	[sflag:s0] =	ssyncadd.s32 @!p0 s1  }
0xb4: {  	[bflag:$0x3] =	sbarrier.arrive $0xFFFF  }
0xb5: {  	_ =	shalt  }

</sc_bundles>
